<compile_context>
chip_gen: v7x
topology: tpu7x:2x2x1
jax: 0.10.2.dev20260603
libtpu: 0.0.44.dev20260713+nightly
codegen_flags: <defaults>
</compile_context>

<pallas_src>
import jax
import jax.numpy as jnp
from jax import lax
from jax.experimental import pallas as pl
from jax.experimental.pallas import tpu as pltpu
from jax.experimental.pallas import tpu_sc as plsc

N_FIELDS = 26
VOCAB = 100000
HIDDEN = 32
BATCH = 16384

NUM_CORES = 2
NUM_SUBCORES = 16
NW = NUM_CORES * NUM_SUBCORES
BPW = BATCH // NW
CHUNK = 64
NCHUNK = BPW // CHUNK
ROWS = CHUNK * N_FIELDS
LANES = 16


def _body(x_hbm, tab_hbm, out_hbm, idx_v, rows_v, out_v, sem):
    wid = lax.axis_index("s") * NUM_CORES + lax.axis_index("c")

    def chunk_body(t, carry):
        pltpu.sync_copy(x_hbm.at[:, wid, t], idx_v)
        handles = []
        for i in range(N_FIELDS):
            handles.append(pltpu.async_copy(
                tab_hbm.at[i].at[idx_v.at[i]],
                rows_v.at[pl.ds(i * CHUNK, CHUNK)],
                sem))
        for h in handles:
            h.wait()

        def elem_body(c, carry2):
            a0 = rows_v[c, 0:16]
            a1 = rows_v[c, 16:32]
            for i in range(1, N_FIELDS):
                a0 = a0 + rows_v[i * CHUNK + c, 0:16]
                a1 = a1 + rows_v[i * CHUNK + c, 16:32]
            out_v[c, 0:16] = a0
            out_v[c, 16:32] = a1
            return carry2

        lax.fori_loop(0, CHUNK, elem_body, 0)
        pltpu.sync_copy(out_v, out_hbm.at[pl.ds(wid * BPW + t * CHUNK, CHUNK)])
        return carry

    lax.fori_loop(0, NCHUNK, chunk_body, 0)


_mesh = plsc.VectorSubcoreMesh(core_axis_name="c", subcore_axis_name="s")

_sc_call = pl.kernel(
    _body,
    out_type=jax.ShapeDtypeStruct((BATCH, HIDDEN), jnp.float32),
    mesh=_mesh,
    scratch_types=[
        pltpu.VMEM((N_FIELDS, CHUNK), jnp.int32),
        pltpu.VMEM((ROWS, HIDDEN), jnp.float32),
        pltpu.VMEM((CHUNK, HIDDEN), jnp.float32),
        pltpu.SemaphoreType.DMA,
    ],
    compiler_params=pltpu.CompilerParams(use_tc_tiling_on_sc=False),
)


def kernel(x, tables):
    x4 = x.astype(jnp.int32).reshape(N_FIELDS, NW, NCHUNK, CHUNK)
    return _sc_call(x4, tables)

# --- scband reference (transcript-rebuilt; emitter-appended) ---
"""Pipeline reference for scband-multi-token-embed-sum-22058952032417 (READ-ONLY COPY).

The authoritative reference and input builder live on the scoring server;
editing this copy changes nothing except your own understanding.
"""

import jax, jax.numpy as jnp
import numpy as np

N_FIELDS = 26
VOCAB = 100000
HIDDEN = 32
BATCH = 16384


def setup_inputs(seed: int = 0) -> dict:
    key = jax.random.key(seed)
    k_idx, k_tab = jax.random.split(key)
    x = jax.random.randint(k_idx, (N_FIELDS, BATCH), 0, VOCAB, dtype=jnp.int64 if jax.config.jax_enable_x64 else jnp.int32)
    # 26 embedding tables, each [VOCAB, HIDDEN]; stacked along field axis.
    tables = jax.random.normal(k_tab, (N_FIELDS, VOCAB, HIDDEN), dtype=jnp.float32)
    return {"x": x, "tables": tables}


def reference(x, tables):
    # Faithful translation of MultiTokenEmbedSum.forward:
    # stack([embed_i(x[i]) for i]) along dim=-1, then sum over dim=-1.
    embedded = jnp.stack(
        [jnp.take(tables[i], x[i], axis=0) for i in range(N_FIELDS)], axis=-1
    )  # [BATCH, HIDDEN, N_FIELDS]
    return embedded.sum(axis=-1)  # [BATCH, HIDDEN]

if __name__ == "__main__":
    import jax
    _d = setup_inputs()
    print(jax.jit(kernel)(*tuple(_d.values())))

</pallas_src>

<mosaic_0001>
#map = affine_map<(d0, d1) -> (0, 0, 0, 0)>
#map1 = affine_map<(d0, d1) -> (0, 0, 0)>
#map2 = affine_map<(d0, d1) -> (0, 0)>
module attributes {stable_mosaic.version = 14 : i64} {
  func.func @_body(%arg0: i32, %arg1: i32, %arg2: memref<26x32x8x64xi32, #tpu.memory_space<hbm>>, %arg3: memref<26x100000x32xf32, #tpu.memory_space<hbm>>, %arg4: memref<16384x32xf32, #tpu.memory_space<hbm>>, %arg5: memref<26x64xi32, #tpu.memory_space<vmem>>, %arg6: memref<1664x32xf32, #tpu.memory_space<vmem>>, %arg7: memref<64x32xf32, #tpu.memory_space<vmem>>, %arg8: memref<!tpu.dma_semaphore, #tpu.memory_space<semaphore_mem>>) attributes {dimension_semantics = [#tpu.dimension_semantics<core_parallel>, #tpu.dimension_semantics<subcore_parallel>], iteration_bounds = array<i64: 2, 16>, scalar_prefetch = 0 : i64, scratch_operands = 4 : i64, tpu.core_type = #tpu.core_type<sc_vector_subcore>, window_params = [{transform_indices = #map}, {transform_indices = #map1}, {transform_indices = #map2}]} {
    %mul3A = arith.constant 2 : i32
    %mul3A_0 = arith.muli %arg1, %mul3A : i32
    %add3A = arith.addi %mul3A_0, %arg0 : i32
    %scan3A = arith.constant 0 : i32
    %scan3A_1 = arith.constant 0 : i32
    %scan3A_2 = arith.constant 8 : i32
    %scan3A_3 = arith.addi %scan3A_1, %scan3A_2 : i32
    %scan3A_4 = arith.constant 1 : i32
    scf.for %scan3A_6 = %scan3A_1 to %scan3A_3 step %scan3A_4  : i32 {
      "tpu.region"() ({
        %run_scoped3A = tpu.sem_alloc : memref<!tpu.dma_semaphore, #tpu.memory_space<semaphore_mem>>
        %dma_start3A_796 = arith.constant 0 : i32
        %dma_start3A_797 = arith.constant 0 : i32
        %dma_start3A_798 = tpu.memref_slice %arg2[%dma_start3A_796, %add3A, %scan3A_6, %dma_start3A_797] : memref<26x32x8x64xi32, #tpu.memory_space<hbm>> -> memref<26x1x1x64xi32, #tpu.memory_space<hbm>>
        %dma_start3A_799 = tpu.memref_squeeze %dma_start3A_798 : memref<26x1x1x64xi32, #tpu.memory_space<hbm>> -> memref<26x64xi32, #tpu.memory_space<hbm>>
        %dma_start3A_800 = arith.constant 0 : i32
        %dma_start3A_801 = arith.constant 0 : i32
        %dma_start3A_802 = tpu.memref_slice %arg2[%dma_start3A_800, %add3A, %scan3A_6, %dma_start3A_801] : memref<26x32x8x64xi32, #tpu.memory_space<hbm>> -> memref<26x1x1x64xi32, #tpu.memory_space<hbm>>
        %dma_start3A_803 = tpu.memref_squeeze %dma_start3A_802 : memref<26x1x1x64xi32, #tpu.memory_space<hbm>> -> memref<26x64xi32, #tpu.memory_space<hbm>>
        tpu.enqueue_dma source(%dma_start3A_803 : memref<26x64xi32, #tpu.memory_space<hbm>>) target(%arg5 : memref<26x64xi32, #tpu.memory_space<vmem>>) target_semaphore(%run_scoped3A : memref<!tpu.dma_semaphore, #tpu.memory_space<semaphore_mem>>)
        %dma_wait3A_804 = arith.constant 0 : i32
        %dma_wait3A_805 = arith.constant 0 : i32
        %dma_wait3A_806 = tpu.memref_slice %arg2[%dma_wait3A_804, %add3A, %scan3A_6, %dma_wait3A_805] : memref<26x32x8x64xi32, #tpu.memory_space<hbm>> -> memref<26x1x1x64xi32, #tpu.memory_space<hbm>>
        %dma_wait3A_807 = tpu.memref_squeeze %dma_wait3A_806 : memref<26x1x1x64xi32, #tpu.memory_space<hbm>> -> memref<26x64xi32, #tpu.memory_space<hbm>>
        %dma_wait3A_808 = arith.constant 0 : i32
        %dma_wait3A_809 = arith.constant 0 : i32
        %dma_wait3A_810 = tpu.memref_slice %arg2[%dma_wait3A_808, %add3A, %scan3A_6, %dma_wait3A_809] : memref<26x32x8x64xi32, #tpu.memory_space<hbm>> -> memref<26x1x1x64xi32, #tpu.memory_space<hbm>>
        %dma_wait3A_811 = tpu.memref_squeeze %dma_wait3A_810 : memref<26x1x1x64xi32, #tpu.memory_space<hbm>> -> memref<26x64xi32, #tpu.memory_space<hbm>>
        tpu.wait_dma2 semaphore(%run_scoped3A : memref<!tpu.dma_semaphore, #tpu.memory_space<semaphore_mem>>) src(%dma_wait3A_811 : memref<26x64xi32, #tpu.memory_space<hbm>>) dst(%arg5 : memref<26x64xi32, #tpu.memory_space<vmem>>)
        tpu.yield
      }) : () -> ()
      %dma_start3A = arith.constant 0 : i32
      %dma_start3A_7 = arith.constant 0 : i32
      %dma_start3A_8 = arith.constant 0 : i32
      %dma_start3A_9 = arith.constant 0 : i32
      %dma_start3A_10 = tpu.memref_slice %arg6[%dma_start3A_8, %dma_start3A_9] : memref<1664x32xf32, #tpu.memory_space<vmem>> -> memref<64x32xf32, #tpu.memory_space<vmem>>
      %dma_start3A_11 = arith.constant 0 : i32
      %dma_start3A_12 = tpu.memref_slice %arg5[%dma_start3A_7, %dma_start3A_11] : memref<26x64xi32, #tpu.memory_space<vmem>> -> memref<1x64xi32, #tpu.memory_space<vmem>>
      %dma_start3A_13 = tpu.memref_squeeze %dma_start3A_12 : memref<1x64xi32, #tpu.memory_space<vmem>> -> memref<64xi32, #tpu.memory_space<vmem>>
      %dma_start3A_14 = arith.constant 0 : i32
      %dma_start3A_15 = arith.constant 0 : i32
      %dma_start3A_16 = tpu.memref_slice %arg3[%dma_start3A, %dma_start3A_14, %dma_start3A_15] : memref<26x100000x32xf32, #tpu.memory_space<hbm>> -> memref<1x100000x32xf32, #tpu.memory_space<hbm>>
      %dma_start3A_17 = tpu.memref_squeeze %dma_start3A_16 : memref<1x100000x32xf32, #tpu.memory_space<hbm>> -> memref<100000x32xf32, #tpu.memory_space<hbm>>
      %dma_start3A_18 = arith.constant 0 : i32
      %dma_start3A_19 = arith.constant 0 : i32
      %dma_start3A_20 = tpu.memref_slice %dma_start3A_17[%dma_start3A_18, %dma_start3A_19] : memref<100000x32xf32, #tpu.memory_space<hbm>> -> memref<100000x32xf32, #tpu.memory_space<hbm>>
      tpu.enqueue_indirect_dma source(%dma_start3A_20 : memref<100000x32xf32, #tpu.memory_space<hbm>>) target(%dma_start3A_10 : memref<64x32xf32, #tpu.memory_space<vmem>>) offsets(%dma_start3A_13 : memref<64xi32, #tpu.memory_space<vmem>>) semaphore(%arg8 : memref<!tpu.dma_semaphore, #tpu.memory_space<semaphore_mem>>)
      %dma_start3A_21 = arith.constant 1 : i32
      %dma_start3A_22 = arith.constant 1 : i32
      %dma_start3A_23 = arith.constant 64 : i32
      %dma_start3A_24 = arith.constant 0 : i32
      %dma_start3A_25 = tpu.memref_slice %arg6[%dma_start3A_23, %dma_start3A_24] : memref<1664x32xf32, #tpu.memory_space<vmem>> -> memref<64x32xf32, #tpu.memory_space<vmem>>
      %dma_start3A_26 = arith.constant 0 : i32
      %dma_start3A_27 = tpu.memref_slice %arg5[%dma_start3A_22, %dma_start3A_26] : memref<26x64xi32, #tpu.memory_space<vmem>> -> memref<1x64xi32, #tpu.memory_space<vmem>>
      %dma_start3A_28 = tpu.memref_squeeze %dma_start3A_27 : memref<1x64xi32, #tpu.memory_space<vmem>> -> memref<64xi32, #tpu.memory_space<vmem>>
      %dma_start3A_29 = arith.constant 0 : i32
      %dma_start3A_30 = arith.constant 0 : i32
      %dma_start3A_31 = tpu.memref_slice %arg3[%dma_start3A_21, %dma_start3A_29, %dma_start3A_30] : memref<26x100000x32xf32, #tpu.memory_space<hbm>> -> memref<1x100000x32xf32, #tpu.memory_space<hbm>>
      %dma_start3A_32 = tpu.memref_squeeze %dma_start3A_31 : memref<1x100000x32xf32, #tpu.memory_space<hbm>> -> memref<100000x32xf32, #tpu.memory_space<hbm>>
      %dma_start3A_33 = arith.constant 0 : i32
      %dma_start3A_34 = arith.constant 0 : i32
      %dma_start3A_35 = tpu.memref_slice %dma_start3A_32[%dma_start3A_33, %dma_start3A_34] : memref<100000x32xf32, #tpu.memory_space<hbm>> -> memref<100000x32xf32, #tpu.memory_space<hbm>>
      tpu.enqueue_indirect_dma source(%dma_start3A_35 : memref<100000x32xf32, #tpu.memory_space<hbm>>) target(%dma_start3A_25 : memref<64x32xf32, #tpu.memory_space<vmem>>) offsets(%dma_start3A_28 : memref<64xi32, #tpu.memory_space<vmem>>) semaphore(%arg8 : memref<!tpu.dma_semaphore, #tpu.memory_space<semaphore_mem>>)
      %dma_start3A_36 = arith.constant 2 : i32
      %dma_start3A_37 = arith.constant 2 : i32
      %dma_start3A_38 = arith.constant 128 : i32
      %dma_start3A_39 = arith.constant 0 : i32
      %dma_start3A_40 = tpu.memref_slice %arg6[%dma_start3A_38, %dma_start3A_39] : memref<1664x32xf32, #tpu.memory_space<vmem>> -> memref<64x32xf32, #tpu.memory_space<vmem>>
      %dma_start3A_41 = arith.constant 0 : i32
      %dma_start3A_42 = tpu.memref_slice %arg5[%dma_start3A_37, %dma_start3A_41] : memref<26x64xi32, #tpu.memory_space<vmem>> -> memref<1x64xi32, #tpu.memory_space<vmem>>
      %dma_start3A_43 = tpu.memref_squeeze %dma_start3A_42 : memref<1x64xi32, #tpu.memory_space<vmem>> -> memref<64xi32, #tpu.memory_space<vmem>>
      %dma_start3A_44 = arith.constant 0 : i32
      %dma_start3A_45 = arith.constant 0 : i32
      %dma_start3A_46 = tpu.memref_slice %arg3[%dma_start3A_36, %dma_start3A_44, %dma_start3A_45] : memref<26x100000x32xf32, #tpu.memory_space<hbm>> -> memref<1x100000x32xf32, #tpu.memory_space<hbm>>
      %dma_start3A_47 = tpu.memref_squeeze %dma_start3A_46 : memref<1x100000x32xf32, #tpu.memory_space<hbm>> -> memref<100000x32xf32, #tpu.memory_space<hbm>>
      %dma_start3A_48 = arith.constant 0 : i32
      %dma_start3A_49 = arith.constant 0 : i32
      %dma_start3A_50 = tpu.memref_slice %dma_start3A_47[%dma_start3A_48, %dma_start3A_49] : memref<100000x32xf32, #tpu.memory_space<hbm>> -> memref<100000x32xf32, #tpu.memory_space<hbm>>
      tpu.enqueue_indirect_dma source(%dma_start3A_50 : memref<100000x32xf32, #tpu.memory_space<hbm>>) target(%dma_start3A_40 : memref<64x32xf32, #tpu.memory_space<vmem>>) offsets(%dma_start3A_43 : memref<64xi32, #tpu.memory_space<vmem>>) semaphore(%arg8 : memref<!tpu.dma_semaphore, #tpu.memory_space<semaphore_mem>>)
      %dma_start3A_51 = arith.constant 3 : i32
      %dma_start3A_52 = arith.constant 3 : i32
      %dma_start3A_53 = arith.constant 192 : i32
      %dma_start3A_54 = arith.constant 0 : i32
      %dma_start3A_55 = tpu.memref_slice %arg6[%dma_start3A_53, %dma_start3A_54] : memref<1664x32xf32, #tpu.memory_space<vmem>> -> memref<64x32xf32, #tpu.memory_space<vmem>>
      %dma_start3A_56 = arith.constant 0 : i32
      %dma_start3A_57 = tpu.memref_slice %arg5[%dma_start3A_52, %dma_start3A_56] : memref<26x64xi32, #tpu.memory_space<vmem>> -> memref<1x64xi32, #tpu.memory_space<vmem>>
      %dma_start3A_58 = tpu.memref_squeeze %dma_start3A_57 : memref<1x64xi32, #tpu.memory_space<vmem>> -> memref<64xi32, #tpu.memory_space<vmem>>
      %dma_start3A_59 = arith.constant 0 : i32
      %dma_start3A_60 = arith.constant 0 : i32
      %dma_start3A_61 = tpu.memref_slice %arg3[%dma_start3A_51, %dma_start3A_59, %dma_start3A_60] : memref<26x100000x32xf32, #tpu.memory_space<hbm>> -> memref<1x100000x32xf32, #tpu.memory_space<hbm>>
      %dma_start3A_62 = tpu.memref_squeeze %dma_start3A_61 : memref<1x100000x32xf32, #tpu.memory_space<hbm>> -> memref<100000x32xf32, #tpu.memory_space<hbm>>
      %dma_start3A_63 = arith.constant 0 : i32
      %dma_start3A_64 = arith.constant 0 : i32
      %dma_start3A_65 = tpu.memref_slice %dma_start3A_62[%dma_start3A_63, %dma_start3A_64] : memref<100000x32xf32, #tpu.memory_space<hbm>> -> memref<100000x32xf32, #tpu.memory_space<hbm>>
      tpu.enqueue_indirect_dma source(%dma_start3A_65 : memref<100000x32xf32, #tpu.memory_space<hbm>>) target(%dma_start3A_55 : memref<64x32xf32, #tpu.memory_space<vmem>>) offsets(%dma_start3A_58 : memref<64xi32, #tpu.memory_space<vmem>>) semaphore(%arg8 : memref<!tpu.dma_semaphore, #tpu.memory_space<semaphore_mem>>)
      %dma_start3A_66 = arith.constant 4 : i32
      %dma_start3A_67 = arith.constant 4 : i32
      %dma_start3A_68 = arith.constant 256 : i32
      %dma_start3A_69 = arith.constant 0 : i32
      %dma_start3A_70 = tpu.memref_slice %arg6[%dma_start3A_68, %dma_start3A_69] : memref<1664x32xf32, #tpu.memory_space<vmem>> -> memref<64x32xf32, #tpu.memory_space<vmem>>
      %dma_start3A_71 = arith.constant 0 : i32
      %dma_start3A_72 = tpu.memref_slice %arg5[%dma_start3A_67, %dma_start3A_71] : memref<26x64xi32, #tpu.memory_space<vmem>> -> memref<1x64xi32, #tpu.memory_space<vmem>>
      %dma_start3A_73 = tpu.memref_squeeze %dma_start3A_72 : memref<1x64xi32, #tpu.memory_space<vmem>> -> memref<64xi32, #tpu.memory_space<vmem>>
      %dma_start3A_74 = arith.constant 0 : i32
      %dma_start3A_75 = arith.constant 0 : i32
      %dma_start3A_76 = tpu.memref_slice %arg3[%dma_start3A_66, %dma_start3A_74, %dma_start3A_75] : memref<26x100000x32xf32, #tpu.memory_space<hbm>> -> memref<1x100000x32xf32, #tpu.memory_space<hbm>>
      %dma_start3A_77 = tpu.memref_squeeze %dma_start3A_76 : memref<1x100000x32xf32, #tpu.memory_space<hbm>> -> memref<100000x32xf32, #tpu.memory_space<hbm>>
      %dma_start3A_78 = arith.constant 0 : i32
      %dma_start3A_79 = arith.constant 0 : i32
      %dma_start3A_80 = tpu.memref_slice %dma_start3A_77[%dma_start3A_78, %dma_start3A_79] : memref<100000x32xf32, #tpu.memory_space<hbm>> -> memref<100000x32xf32, #tpu.memory_space<hbm>>
      tpu.enqueue_indirect_dma source(%dma_start3A_80 : memref<100000x32xf32, #tpu.memory_space<hbm>>) target(%dma_start3A_70 : memref<64x32xf32, #tpu.memory_space<vmem>>) offsets(%dma_start3A_73 : memref<64xi32, #tpu.memory_space<vmem>>) semaphore(%arg8 : memref<!tpu.dma_semaphore, #tpu.memory_space<semaphore_mem>>)
      %dma_start3A_81 = arith.constant 5 : i32
      %dma_start3A_82 = arith.constant 5 : i32
      %dma_start3A_83 = arith.constant 320 : i32
      %dma_start3A_84 = arith.constant 0 : i32
      %dma_start3A_85 = tpu.memref_slice %arg6[%dma_start3A_83, %dma_start3A_84] : memref<1664x32xf32, #tpu.memory_space<vmem>> -> memref<64x32xf32, #tpu.memory_space<vmem>>
      %dma_start3A_86 = arith.constant 0 : i32
      %dma_start3A_87 = tpu.memref_slice %arg5[%dma_start3A_82, %dma_start3A_86] : memref<26x64xi32, #tpu.memory_space<vmem>> -> memref<1x64xi32, #tpu.memory_space<vmem>>
      %dma_start3A_88 = tpu.memref_squeeze %dma_start3A_87 : memref<1x64xi32, #tpu.memory_space<vmem>> -> memref<64xi32, #tpu.memory_space<vmem>>
      %dma_start3A_89 = arith.constant 0 : i32
      %dma_start3A_90 = arith.constant 0 : i32
      %dma_start3A_91 = tpu.memref_slice %arg3[%dma_start3A_81, %dma_start3A_89, %dma_start3A_90] : memref<26x100000x32xf32, #tpu.memory_space<hbm>> -> memref<1x100000x32xf32, #tpu.memory_space<hbm>>
      %dma_start3A_92 = tpu.memref_squeeze %dma_start3A_91 : memref<1x100000x32xf32, #tpu.memory_space<hbm>> -> memref<100000x32xf32, #tpu.memory_space<hbm>>
      %dma_start3A_93 = arith.constant 0 : i32
      %dma_start3A_94 = arith.constant 0 : i32
      %dma_start3A_95 = tpu.memref_slice %dma_start3A_92[%dma_start3A_93, %dma_start3A_94] : memref<100000x32xf32, #tpu.memory_space<hbm>> -> memref<100000x32xf32, #tpu.memory_space<hbm>>
      tpu.enqueue_indirect_dma source(%dma_start3A_95 : memref<100000x32xf32, #tpu.memory_space<hbm>>) target(%dma_start3A_85 : memref<64x32xf32, #tpu.memory_space<vmem>>) offsets(%dma_start3A_88 : memref<64xi32, #tpu.memory_space<vmem>>) semaphore(%arg8 : memref<!tpu.dma_semaphore, #tpu.memory_space<semaphore_mem>>)
      %dma_start3A_96 = arith.constant 6 : i32
      %dma_start3A_97 = arith.constant 6 : i32
      %dma_start3A_98 = arith.constant 384 : i32
      %dma_start3A_99 = arith.constant 0 : i32
      %dma_start3A_100 = tpu.memref_slice %arg6[%dma_start3A_98, %dma_start3A_99] : memref<1664x32xf32, #tpu.memory_space<vmem>> -> memref<64x32xf32, #tpu.memory_space<vmem>>
      %dma_start3A_101 = arith.constant 0 : i32
      %dma_start3A_102 = tpu.memref_slice %arg5[%dma_start3A_97, %dma_start3A_101] : memref<26x64xi32, #tpu.memory_space<vmem>> -> memref<1x64xi32, #tpu.memory_space<vmem>>
      %dma_start3A_103 = tpu.memref_squeeze %dma_start3A_102 : memref<1x64xi32, #tpu.memory_space<vmem>> -> memref<64xi32, #tpu.memory_space<vmem>>
      %dma_start3A_104 = arith.constant 0 : i32
      %dma_start3A_105 = arith.constant 0 : i32
      %dma_start3A_106 = tpu.memref_slice %arg3[%dma_start3A_96, %dma_start3A_104, %dma_start3A_105] : memref<26x100000x32xf32, #tpu.memory_space<hbm>> -> memref<1x100000x32xf32, #tpu.memory_space<hbm>>
      %dma_start3A_107 = tpu.memref_squeeze %dma_start3A_106 : memref<1x100000x32xf32, #tpu.memory_space<hbm>> -> memref<100000x32xf32, #tpu.memory_space<hbm>>
      %dma_start3A_108 = arith.constant 0 : i32
      %dma_start3A_109 = arith.constant 0 : i32
      %dma_start3A_110 = tpu.memref_slice %dma_start3A_107[%dma_start3A_108, %dma_start3A_109] : memref<100000x32xf32, #tpu.memory_space<hbm>> -> memref<100000x32xf32, #tpu.memory_space<hbm>>
      tpu.enqueue_indirect_dma source(%dma_start3A_110 : memref<100000x32xf32, #tpu.memory_space<hbm>>) target(%dma_start3A_100 : memref<64x32xf32, #tpu.memory_space<vmem>>) offsets(%dma_start3A_103 : memref<64xi32, #tpu.memory_space<vmem>>) semaphore(%arg8 : memref<!tpu.dma_semaphore, #tpu.memory_space<semaphore_mem>>)
      %dma_start3A_111 = arith.constant 7 : i32
      %dma_start3A_112 = arith.constant 7 : i32
      %dma_start3A_113 = arith.constant 448 : i32
      %dma_start3A_114 = arith.constant 0 : i32
      %dma_start3A_115 = tpu.memref_slice %arg6[%dma_start3A_113, %dma_start3A_114] : memref<1664x32xf32, #tpu.memory_space<vmem>> -> memref<64x32xf32, #tpu.memory_space<vmem>>
      %dma_start3A_116 = arith.constant 0 : i32
      %dma_start3A_117 = tpu.memref_slice %arg5[%dma_start3A_112, %dma_start3A_116] : memref<26x64xi32, #tpu.memory_space<vmem>> -> memref<1x64xi32, #tpu.memory_space<vmem>>
      %dma_start3A_118 = tpu.memref_squeeze %dma_start3A_117 : memref<1x64xi32, #tpu.memory_space<vmem>> -> memref<64xi32, #tpu.memory_space<vmem>>
      %dma_start3A_119 = arith.constant 0 : i32
      %dma_start3A_120 = arith.constant 0 : i32
      %dma_start3A_121 = tpu.memref_slice %arg3[%dma_start3A_111, %dma_start3A_119, %dma_start3A_120] : memref<26x100000x32xf32, #tpu.memory_space<hbm>> -> memref<1x100000x32xf32, #tpu.memory_space<hbm>>
      %dma_start3A_122 = tpu.memref_squeeze %dma_start3A_121 : memref<1x100000x32xf32, #tpu.memory_space<hbm>> -> memref<100000x32xf32, #tpu.memory_space<hbm>>
      %dma_start3A_123 = arith.constant 0 : i32
      %dma_start3A_124 = arith.constant 0 : i32
      %dma_start3A_125 = tpu.memref_slice %dma_start3A_122[%dma_start3A_123, %dma_start3A_124] : memref<100000x32xf32, #tpu.memory_space<hbm>> -> memref<100000x32xf32, #tpu.memory_space<hbm>>
      tpu.enqueue_indirect_dma source(%dma_start3A_125 : memref<100000x32xf32, #tpu.memory_space<hbm>>) target(%dma_start3A_115 : memref<64x32xf32, #tpu.memory_space<vmem>>) offsets(%dma_start3A_118 : memref<64xi32, #tpu.memory_space<vmem>>) semaphore(%arg8 : memref<!tpu.dma_semaphore, #tpu.memory_space<semaphore_mem>>)
      %dma_start3A_126 = arith.constant 8 : i32
      %dma_start3A_127 = arith.constant 8 : i32
      %dma_start3A_128 = arith.constant 512 : i32
      %dma_start3A_129 = arith.constant 0 : i32
      %dma_start3A_130 = tpu.memref_slice %arg6[%dma_start3A_128, %dma_start3A_129] : memref<1664x32xf32, #tpu.memory_space<vmem>> -> memref<64x32xf32, #tpu.memory_space<vmem>>
      %dma_start3A_131 = arith.constant 0 : i32
      %dma_start3A_132 = tpu.memref_slice %arg5[%dma_start3A_127, %dma_start3A_131] : memref<26x64xi32, #tpu.memory_space<vmem>> -> memref<1x64xi32, #tpu.memory_space<vmem>>
      %dma_start3A_133 = tpu.memref_squeeze %dma_start3A_132 : memref<1x64xi32, #tpu.memory_space<vmem>> -> memref<64xi32, #tpu.memory_space<vmem>>
      %dma_start3A_134 = arith.constant 0 : i32
      %dma_start3A_135 = arith.constant 0 : i32
      %dma_start3A_136 = tpu.memref_slice %arg3[%dma_start3A_126, %dma_start3A_134, %dma_start3A_135] : memref<26x100000x32xf32, #tpu.memory_space<hbm>> -> memref<1x100000x32xf32, #tpu.memory_space<hbm>>
      %dma_start3A_137 = tpu.memref_squeeze %dma_start3A_136 : memref<1x100000x32xf32, #tpu.memory_space<hbm>> -> memref<100000x32xf32, #tpu.memory_space<hbm>>
      %dma_start3A_138 = arith.constant 0 : i32
      %dma_start3A_139 = arith.constant 0 : i32
      %dma_start3A_140 = tpu.memref_slice %dma_start3A_137[%dma_start3A_138, %dma_start3A_139] : memref<100000x32xf32, #tpu.memory_space<hbm>> -> memref<100000x32xf32, #tpu.memory_space<hbm>>
      tpu.enqueue_indirect_dma source(%dma_start3A_140 : memref<100000x32xf32, #tpu.memory_space<hbm>>) target(%dma_start3A_130 : memref<64x32xf32, #tpu.memory_space<vmem>>) offsets(%dma_start3A_133 : memref<64xi32, #tpu.memory_space<vmem>>) semaphore(%arg8 : memref<!tpu.dma_semaphore, #tpu.memory_space<semaphore_mem>>)
      %dma_start3A_141 = arith.constant 9 : i32
      %dma_start3A_142 = arith.constant 9 : i32
      %dma_start3A_143 = arith.constant 576 : i32
      %dma_start3A_144 = arith.constant 0 : i32
      %dma_start3A_145 = tpu.memref_slice %arg6[%dma_start3A_143, %dma_start3A_144] : memref<1664x32xf32, #tpu.memory_space<vmem>> -> memref<64x32xf32, #tpu.memory_space<vmem>>
      %dma_start3A_146 = arith.constant 0 : i32
      %dma_start3A_147 = tpu.memref_slice %arg5[%dma_start3A_142, %dma_start3A_146] : memref<26x64xi32, #tpu.memory_space<vmem>> -> memref<1x64xi32, #tpu.memory_space<vmem>>
      %dma_start3A_148 = tpu.memref_squeeze %dma_start3A_147 : memref<1x64xi32, #tpu.memory_space<vmem>> -> memref<64xi32, #tpu.memory_space<vmem>>
      %dma_start3A_149 = arith.constant 0 : i32
      %dma_start3A_150 = arith.constant 0 : i32
      %dma_start3A_151 = tpu.memref_slice %arg3[%dma_start3A_141, %dma_start3A_149, %dma_start3A_150] : memref<26x100000x32xf32, #tpu.memory_space<hbm>> -> memref<1x100000x32xf32, #tpu.memory_space<hbm>>
      %dma_start3A_152 = tpu.memref_squeeze %dma_start3A_151 : memref<1x100000x32xf32, #tpu.memory_space<hbm>> -> memref<100000x32xf32, #tpu.memory_space<hbm>>
      %dma_start3A_153 = arith.constant 0 : i32
      %dma_start3A_154 = arith.constant 0 : i32
      %dma_start3A_155 = tpu.memref_slice %dma_start3A_152[%dma_start3A_153, %dma_start3A_154] : memref<100000x32xf32, #tpu.memory_space<hbm>> -> memref<100000x32xf32, #tpu.memory_space<hbm>>
      tpu.enqueue_indirect_dma source(%dma_start3A_155 : memref<100000x32xf32, #tpu.memory_space<hbm>>) target(%dma_start3A_145 : memref<64x32xf32, #tpu.memory_space<vmem>>) offsets(%dma_start3A_148 : memref<64xi32, #tpu.memory_space<vmem>>) semaphore(%arg8 : memref<!tpu.dma_semaphore, #tpu.memory_space<semaphore_mem>>)
      %dma_start3A_156 = arith.constant 10 : i32
      %dma_start3A_157 = arith.constant 10 : i32
      %dma_start3A_158 = arith.constant 640 : i32
      %dma_start3A_159 = arith.constant 0 : i32
      %dma_start3A_160 = tpu.memref_slice %arg6[%dma_start3A_158, %dma_start3A_159] : memref<1664x32xf32, #tpu.memory_space<vmem>> -> memref<64x32xf32, #tpu.memory_space<vmem>>
      %dma_start3A_161 = arith.constant 0 : i32
      %dma_start3A_162 = tpu.memref_slice %arg5[%dma_start3A_157, %dma_start3A_161] : memref<26x64xi32, #tpu.memory_space<vmem>> -> memref<1x64xi32, #tpu.memory_space<vmem>>
      %dma_start3A_163 = tpu.memref_squeeze %dma_start3A_162 : memref<1x64xi32, #tpu.memory_space<vmem>> -> memref<64xi32, #tpu.memory_space<vmem>>
      %dma_start3A_164 = arith.constant 0 : i32
      %dma_start3A_165 = arith.constant 0 : i32
      %dma_start3A_166 = tpu.memref_slice %arg3[%dma_start3A_156, %dma_start3A_164, %dma_start3A_165] : memref<26x100000x32xf32, #tpu.memory_space<hbm>> -> memref<1x100000x32xf32, #tpu.memory_space<hbm>>
      %dma_start3A_167 = tpu.memref_squeeze %dma_start3A_166 : memref<1x100000x32xf32, #tpu.memory_space<hbm>> -> memref<100000x32xf32, #tpu.memory_space<hbm>>
      %dma_start3A_168 = arith.constant 0 : i32
      %dma_start3A_169 = arith.constant 0 : i32
      %dma_start3A_170 = tpu.memref_slice %dma_start3A_167[%dma_start3A_168, %dma_start3A_169] : memref<100000x32xf32, #tpu.memory_space<hbm>> -> memref<100000x32xf32, #tpu.memory_space<hbm>>
      tpu.enqueue_indirect_dma source(%dma_start3A_170 : memref<100000x32xf32, #tpu.memory_space<hbm>>) target(%dma_start3A_160 : memref<64x32xf32, #tpu.memory_space<vmem>>) offsets(%dma_start3A_163 : memref<64xi32, #tpu.memory_space<vmem>>) semaphore(%arg8 : memref<!tpu.dma_semaphore, #tpu.memory_space<semaphore_mem>>)
      %dma_start3A_171 = arith.constant 11 : i32
      %dma_start3A_172 = arith.constant 11 : i32
      %dma_start3A_173 = arith.constant 704 : i32
      %dma_start3A_174 = arith.constant 0 : i32
      %dma_start3A_175 = tpu.memref_slice %arg6[%dma_start3A_173, %dma_start3A_174] : memref<1664x32xf32, #tpu.memory_space<vmem>> -> memref<64x32xf32, #tpu.memory_space<vmem>>
      %dma_start3A_176 = arith.constant 0 : i32
      %dma_start3A_177 = tpu.memref_slice %arg5[%dma_start3A_172, %dma_start3A_176] : memref<26x64xi32, #tpu.memory_space<vmem>> -> memref<1x64xi32, #tpu.memory_space<vmem>>
      %dma_start3A_178 = tpu.memref_squeeze %dma_start3A_177 : memref<1x64xi32, #tpu.memory_space<vmem>> -> memref<64xi32, #tpu.memory_space<vmem>>
      %dma_start3A_179 = arith.constant 0 : i32
      %dma_start3A_180 = arith.constant 0 : i32
      %dma_start3A_181 = tpu.memref_slice %arg3[%dma_start3A_171, %dma_start3A_179, %dma_start3A_180] : memref<26x100000x32xf32, #tpu.memory_space<hbm>> -> memref<1x100000x32xf32, #tpu.memory_space<hbm>>
      %dma_start3A_182 = tpu.memref_squeeze %dma_start3A_181 : memref<1x100000x32xf32, #tpu.memory_space<hbm>> -> memref<100000x32xf32, #tpu.memory_space<hbm>>
      %dma_start3A_183 = arith.constant 0 : i32
      %dma_start3A_184 = arith.constant 0 : i32
      %dma_start3A_185 = tpu.memref_slice %dma_start3A_182[%dma_start3A_183, %dma_start3A_184] : memref<100000x32xf32, #tpu.memory_space<hbm>> -> memref<100000x32xf32, #tpu.memory_space<hbm>>
      tpu.enqueue_indirect_dma source(%dma_start3A_185 : memref<100000x32xf32, #tpu.memory_space<hbm>>) target(%dma_start3A_175 : memref<64x32xf32, #tpu.memory_space<vmem>>) offsets(%dma_start3A_178 : memref<64xi32, #tpu.memory_space<vmem>>) semaphore(%arg8 : memref<!tpu.dma_semaphore, #tpu.memory_space<semaphore_mem>>)
      %dma_start3A_186 = arith.constant 12 : i32
      %dma_start3A_187 = arith.constant 12 : i32
      %dma_start3A_188 = arith.constant 768 : i32
      %dma_start3A_189 = arith.constant 0 : i32
      %dma_start3A_190 = tpu.memref_slice %arg6[%dma_start3A_188, %dma_start3A_189] : memref<1664x32xf32, #tpu.memory_space<vmem>> -> memref<64x32xf32, #tpu.memory_space<vmem>>
      %dma_start3A_191 = arith.constant 0 : i32
      %dma_start3A_192 = tpu.memref_slice %arg5[%dma_start3A_187, %dma_start3A_191] : memref<26x64xi32, #tpu.memory_space<vmem>> -> memref<1x64xi32, #tpu.memory_space<vmem>>
      %dma_start3A_193 = tpu.memref_squeeze %dma_start3A_192 : memref<1x64xi32, #tpu.memory_space<vmem>> -> memref<64xi32, #tpu.memory_space<vmem>>
      %dma_start3A_194 = arith.constant 0 : i32
      %dma_start3A_195 = arith.constant 0 : i32
      %dma_start3A_196 = tpu.memref_slice %arg3[%dma_start3A_186, %dma_start3A_194, %dma_start3A_195] : memref<26x100000x32xf32, #tpu.memory_space<hbm>> -> memref<1x100000x32xf32, #tpu.memory_space<hbm>>
      %dma_start3A_197 = tpu.memref_squeeze %dma_start3A_196 : memref<1x100000x32xf32, #tpu.memory_space<hbm>> -> memref<100000x32xf32, #tpu.memory_space<hbm>>
      %dma_start3A_198 = arith.constant 0 : i32
      %dma_start3A_199 = arith.constant 0 : i32
      %dma_start3A_200 = tpu.memref_slice %dma_start3A_197[%dma_start3A_198, %dma_start3A_199] : memref<100000x32xf32, #tpu.memory_space<hbm>> -> memref<100000x32xf32, #tpu.memory_space<hbm>>
      tpu.enqueue_indirect_dma source(%dma_start3A_200 : memref<100000x32xf32, #tpu.memory_space<hbm>>) target(%dma_start3A_190 : memref<64x32xf32, #tpu.memory_space<vmem>>) offsets(%dma_start3A_193 : memref<64xi32, #tpu.memory_space<vmem>>) semaphore(%arg8 : memref<!tpu.dma_semaphore, #tpu.memory_space<semaphore_mem>>)
      %dma_start3A_201 = arith.constant 13 : i32
      %dma_start3A_202 = arith.constant 13 : i32
      %dma_start3A_203 = arith.constant 832 : i32
      %dma_start3A_204 = arith.constant 0 : i32
      %dma_start3A_205 = tpu.memref_slice %arg6[%dma_start3A_203, %dma_start3A_204] : memref<1664x32xf32, #tpu.memory_space<vmem>> -> memref<64x32xf32, #tpu.memory_space<vmem>>
      %dma_start3A_206 = arith.constant 0 : i32
      %dma_start3A_207 = tpu.memref_slice %arg5[%dma_start3A_202, %dma_start3A_206] : memref<26x64xi32, #tpu.memory_space<vmem>> -> memref<1x64xi32, #tpu.memory_space<vmem>>
      %dma_start3A_208 = tpu.memref_squeeze %dma_start3A_207 : memref<1x64xi32, #tpu.memory_space<vmem>> -> memref<64xi32, #tpu.memory_space<vmem>>
      %dma_start3A_209 = arith.constant 0 : i32
      %dma_start3A_210 = arith.constant 0 : i32
      %dma_start3A_211 = tpu.memref_slice %arg3[%dma_start3A_201, %dma_start3A_209, %dma_start3A_210] : memref<26x100000x32xf32, #tpu.memory_space<hbm>> -> memref<1x100000x32xf32, #tpu.memory_space<hbm>>
      %dma_start3A_212 = tpu.memref_squeeze %dma_start3A_211 : memref<1x100000x32xf32, #tpu.memory_space<hbm>> -> memref<100000x32xf32, #tpu.memory_space<hbm>>
      %dma_start3A_213 = arith.constant 0 : i32
      %dma_start3A_214 = arith.constant 0 : i32
      %dma_start3A_215 = tpu.memref_slice %dma_start3A_212[%dma_start3A_213, %dma_start3A_214] : memref<100000x32xf32, #tpu.memory_space<hbm>> -> memref<100000x32xf32, #tpu.memory_space<hbm>>
      tpu.enqueue_indirect_dma source(%dma_start3A_215 : memref<100000x32xf32, #tpu.memory_space<hbm>>) target(%dma_start3A_205 : memref<64x32xf32, #tpu.memory_space<vmem>>) offsets(%dma_start3A_208 : memref<64xi32, #tpu.memory_space<vmem>>) semaphore(%arg8 : memref<!tpu.dma_semaphore, #tpu.memory_space<semaphore_mem>>)
      %dma_start3A_216 = arith.constant 14 : i32
      %dma_start3A_217 = arith.constant 14 : i32
      %dma_start3A_218 = arith.constant 896 : i32
      %dma_start3A_219 = arith.constant 0 : i32
      %dma_start3A_220 = tpu.memref_slice %arg6[%dma_start3A_218, %dma_start3A_219] : memref<1664x32xf32, #tpu.memory_space<vmem>> -> memref<64x32xf32, #tpu.memory_space<vmem>>
      %dma_start3A_221 = arith.constant 0 : i32
      %dma_start3A_222 = tpu.memref_slice %arg5[%dma_start3A_217, %dma_start3A_221] : memref<26x64xi32, #tpu.memory_space<vmem>> -> memref<1x64xi32, #tpu.memory_space<vmem>>
      %dma_start3A_223 = tpu.memref_squeeze %dma_start3A_222 : memref<1x64xi32, #tpu.memory_space<vmem>> -> memref<64xi32, #tpu.memory_space<vmem>>
      %dma_start3A_224 = arith.constant 0 : i32
      %dma_start3A_225 = arith.constant 0 : i32
      %dma_start3A_226 = tpu.memref_slice %arg3[%dma_start3A_216, %dma_start3A_224, %dma_start3A_225] : memref<26x100000x32xf32, #tpu.memory_space<hbm>> -> memref<1x100000x32xf32, #tpu.memory_space<hbm>>
      %dma_start3A_227 = tpu.memref_squeeze %dma_start3A_226 : memref<1x100000x32xf32, #tpu.memory_space<hbm>> -> memref<100000x32xf32, #tpu.memory_space<hbm>>
      %dma_start3A_228 = arith.constant 0 : i32
      %dma_start3A_229 = arith.constant 0 : i32
      %dma_start3A_230 = tpu.memref_slice %dma_start3A_227[%dma_start3A_228, %dma_start3A_229] : memref<100000x32xf32, #tpu.memory_space<hbm>> -> memref<100000x32xf32, #tpu.memory_space<hbm>>
      tpu.enqueue_indirect_dma source(%dma_start3A_230 : memref<100000x32xf32, #tpu.memory_space<hbm>>) target(%dma_start3A_220 : memref<64x32xf32, #tpu.memory_space<vmem>>) offsets(%dma_start3A_223 : memref<64xi32, #tpu.memory_space<vmem>>) semaphore(%arg8 : memref<!tpu.dma_semaphore, #tpu.memory_space<semaphore_mem>>)
      %dma_start3A_231 = arith.constant 15 : i32
      %dma_start3A_232 = arith.constant 15 : i32
      %dma_start3A_233 = arith.constant 960 : i32
      %dma_start3A_234 = arith.constant 0 : i32
      %dma_start3A_235 = tpu.memref_slice %arg6[%dma_start3A_233, %dma_start3A_234] : memref<1664x32xf32, #tpu.memory_space<vmem>> -> memref<64x32xf32, #tpu.memory_space<vmem>>
      %dma_start3A_236 = arith.constant 0 : i32
      %dma_start3A_237 = tpu.memref_slice %arg5[%dma_start3A_232, %dma_start3A_236] : memref<26x64xi32, #tpu.memory_space<vmem>> -> memref<1x64xi32, #tpu.memory_space<vmem>>
      %dma_start3A_238 = tpu.memref_squeeze %dma_start3A_237 : memref<1x64xi32, #tpu.memory_space<vmem>> -> memref<64xi32, #tpu.memory_space<vmem>>
      %dma_start3A_239 = arith.constant 0 : i32
      %dma_start3A_240 = arith.constant 0 : i32
      %dma_start3A_241 = tpu.memref_slice %arg3[%dma_start3A_231, %dma_start3A_239, %dma_start3A_240] : memref<26x100000x32xf32, #tpu.memory_space<hbm>> -> memref<1x100000x32xf32, #tpu.memory_space<hbm>>
      %dma_start3A_242 = tpu.memref_squeeze %dma_start3A_241 : memref<1x100000x32xf32, #tpu.memory_space<hbm>> -> memref<100000x32xf32, #tpu.memory_space<hbm>>
      %dma_start3A_243 = arith.constant 0 : i32
      %dma_start3A_244 = arith.constant 0 : i32
      %dma_start3A_245 = tpu.memref_slice %dma_start3A_242[%dma_start3A_243, %dma_start3A_244] : memref<100000x32xf32, #tpu.memory_space<hbm>> -> memref<100000x32xf32, #tpu.memory_space<hbm>>
      tpu.enqueue_indirect_dma source(%dma_start3A_245 : memref<100000x32xf32, #tpu.memory_space<hbm>>) target(%dma_start3A_235 : memref<64x32xf32, #tpu.memory_space<vmem>>) offsets(%dma_start3A_238 : memref<64xi32, #tpu.memory_space<vmem>>) semaphore(%arg8 : memref<!tpu.dma_semaphore, #tpu.memory_space<semaphore_mem>>)
      %dma_start3A_246 = arith.constant 16 : i32
      %dma_start3A_247 = arith.constant 16 : i32
      %dma_start3A_248 = arith.constant 1024 : i32
      %dma_start3A_249 = arith.constant 0 : i32
      %dma_start3A_250 = tpu.memref_slice %arg6[%dma_start3A_248, %dma_start3A_249] : memref<1664x32xf32, #tpu.memory_space<vmem>> -> memref<64x32xf32, #tpu.memory_space<vmem>>
      %dma_start3A_251 = arith.constant 0 : i32
      %dma_start3A_252 = tpu.memref_slice %arg5[%dma_start3A_247, %dma_start3A_251] : memref<26x64xi32, #tpu.memory_space<vmem>> -> memref<1x64xi32, #tpu.memory_space<vmem>>
      %dma_start3A_253 = tpu.memref_squeeze %dma_start3A_252 : memref<1x64xi32, #tpu.memory_space<vmem>> -> memref<64xi32, #tpu.memory_space<vmem>>
      %dma_start3A_254 = arith.constant 0 : i32
      %dma_start3A_255 = arith.constant 0 : i32
      %dma_start3A_256 = tpu.memref_slice %arg3[%dma_start3A_246, %dma_start3A_254, %dma_start3A_255] : memref<26x100000x32xf32, #tpu.memory_space<hbm>> -> memref<1x100000x32xf32, #tpu.memory_space<hbm>>
      %dma_start3A_257 = tpu.memref_squeeze %dma_start3A_256 : memref<1x100000x32xf32, #tpu.memory_space<hbm>> -> memref<100000x32xf32, #tpu.memory_space<hbm>>
      %dma_start3A_258 = arith.constant 0 : i32
      %dma_start3A_259 = arith.constant 0 : i32
      %dma_start3A_260 = tpu.memref_slice %dma_start3A_257[%dma_start3A_258, %dma_start3A_259] : memref<100000x32xf32, #tpu.memory_space<hbm>> -> memref<100000x32xf32, #tpu.memory_space<hbm>>
      tpu.enqueue_indirect_dma source(%dma_start3A_260 : memref<100000x32xf32, #tpu.memory_space<hbm>>) target(%dma_start3A_250 : memref<64x32xf32, #tpu.memory_space<vmem>>) offsets(%dma_start3A_253 : memref<64xi32, #tpu.memory_space<vmem>>) semaphore(%arg8 : memref<!tpu.dma_semaphore, #tpu.memory_space<semaphore_mem>>)
      %dma_start3A_261 = arith.constant 17 : i32
      %dma_start3A_262 = arith.constant 17 : i32
      %dma_start3A_263 = arith.constant 1088 : i32
      %dma_start3A_264 = arith.constant 0 : i32
      %dma_start3A_265 = tpu.memref_slice %arg6[%dma_start3A_263, %dma_start3A_264] : memref<1664x32xf32, #tpu.memory_space<vmem>> -> memref<64x32xf32, #tpu.memory_space<vmem>>
      %dma_start3A_266 = arith.constant 0 : i32
      %dma_start3A_267 = tpu.memref_slice %arg5[%dma_start3A_262, %dma_start3A_266] : memref<26x64xi32, #tpu.memory_space<vmem>> -> memref<1x64xi32, #tpu.memory_space<vmem>>
      %dma_start3A_268 = tpu.memref_squeeze %dma_start3A_267 : memref<1x64xi32, #tpu.memory_space<vmem>> -> memref<64xi32, #tpu.memory_space<vmem>>
      %dma_start3A_269 = arith.constant 0 : i32
      %dma_start3A_270 = arith.constant 0 : i32
      %dma_start3A_271 = tpu.memref_slice %arg3[%dma_start3A_261, %dma_start3A_269, %dma_start3A_270] : memref<26x100000x32xf32, #tpu.memory_space<hbm>> -> memref<1x100000x32xf32, #tpu.memory_space<hbm>>
      %dma_start3A_272 = tpu.memref_squeeze %dma_start3A_271 : memref<1x100000x32xf32, #tpu.memory_space<hbm>> -> memref<100000x32xf32, #tpu.memory_space<hbm>>
      %dma_start3A_273 = arith.constant 0 : i32
      %dma_start3A_274 = arith.constant 0 : i32
      %dma_start3A_275 = tpu.memref_slice %dma_start3A_272[%dma_start3A_273, %dma_start3A_274] : memref<100000x32xf32, #tpu.memory_space<hbm>> -> memref<100000x32xf32, #tpu.memory_space<hbm>>
      tpu.enqueue_indirect_dma source(%dma_start3A_275 : memref<100000x32xf32, #tpu.memory_space<hbm>>) target(%dma_start3A_265 : memref<64x32xf32, #tpu.memory_space<vmem>>) offsets(%dma_start3A_268 : memref<64xi32, #tpu.memory_space<vmem>>) semaphore(%arg8 : memref<!tpu.dma_semaphore, #tpu.memory_space<semaphore_mem>>)
      %dma_start3A_276 = arith.constant 18 : i32
      %dma_start3A_277 = arith.constant 18 : i32
      %dma_start3A_278 = arith.constant 1152 : i32
      %dma_start3A_279 = arith.constant 0 : i32
      %dma_start3A_280 = tpu.memref_slice %arg6[%dma_start3A_278, %dma_start3A_279] : memref<1664x32xf32, #tpu.memory_space<vmem>> -> memref<64x32xf32, #tpu.memory_space<vmem>>
      %dma_start3A_281 = arith.constant 0 : i32
      %dma_start3A_282 = tpu.memref_slice %arg5[%dma_start3A_277, %dma_start3A_281] : memref<26x64xi32, #tpu.memory_space<vmem>> -> memref<1x64xi32, #tpu.memory_space<vmem>>
      %dma_start3A_283 = tpu.memref_squeeze %dma_start3A_282 : memref<1x64xi32, #tpu.memory_space<vmem>> -> memref<64xi32, #tpu.memory_space<vmem>>
      %dma_start3A_284 = arith.constant 0 : i32
      %dma_start3A_285 = arith.constant 0 : i32
      %dma_start3A_286 = tpu.memref_slice %arg3[%dma_start3A_276, %dma_start3A_284, %dma_start3A_285] : memref<26x100000x32xf32, #tpu.memory_space<hbm>> -> memref<1x100000x32xf32, #tpu.memory_space<hbm>>
      %dma_start3A_287 = tpu.memref_squeeze %dma_start3A_286 : memref<1x100000x32xf32, #tpu.memory_space<hbm>> -> memref<100000x32xf32, #tpu.memory_space<hbm>>
      %dma_start3A_288 = arith.constant 0 : i32
      %dma_start3A_289 = arith.constant 0 : i32
      %dma_start3A_290 = tpu.memref_slice %dma_start3A_287[%dma_start3A_288, %dma_start3A_289] : memref<100000x32xf32, #tpu.memory_space<hbm>> -> memref<100000x32xf32, #tpu.memory_space<hbm>>
      tpu.enqueue_indirect_dma source(%dma_start3A_290 : memref<100000x32xf32, #tpu.memory_space<hbm>>) target(%dma_start3A_280 : memref<64x32xf32, #tpu.memory_space<vmem>>) offsets(%dma_start3A_283 : memref<64xi32, #tpu.memory_space<vmem>>) semaphore(%arg8 : memref<!tpu.dma_semaphore, #tpu.memory_space<semaphore_mem>>)
      %dma_start3A_291 = arith.constant 19 : i32
      %dma_start3A_292 = arith.constant 19 : i32
      %dma_start3A_293 = arith.constant 1216 : i32
      %dma_start3A_294 = arith.constant 0 : i32
      %dma_start3A_295 = tpu.memref_slice %arg6[%dma_start3A_293, %dma_start3A_294] : memref<1664x32xf32, #tpu.memory_space<vmem>> -> memref<64x32xf32, #tpu.memory_space<vmem>>
      %dma_start3A_296 = arith.constant 0 : i32
      %dma_start3A_297 = tpu.memref_slice %arg5[%dma_start3A_292, %dma_start3A_296] : memref<26x64xi32, #tpu.memory_space<vmem>> -> memref<1x64xi32, #tpu.memory_space<vmem>>
      %dma_start3A_298 = tpu.memref_squeeze %dma_start3A_297 : memref<1x64xi32, #tpu.memory_space<vmem>> -> memref<64xi32, #tpu.memory_space<vmem>>
      %dma_start3A_299 = arith.constant 0 : i32
      %dma_start3A_300 = arith.constant 0 : i32
      %dma_start3A_301 = tpu.memref_slice %arg3[%dma_start3A_291, %dma_start3A_299, %dma_start3A_300] : memref<26x100000x32xf32, #tpu.memory_space<hbm>> -> memref<1x100000x32xf32, #tpu.memory_space<hbm>>
      %dma_start3A_302 = tpu.memref_squeeze %dma_start3A_301 : memref<1x100000x32xf32, #tpu.memory_space<hbm>> -> memref<100000x32xf32, #tpu.memory_space<hbm>>
      %dma_start3A_303 = arith.constant 0 : i32
      %dma_start3A_304 = arith.constant 0 : i32
      %dma_start3A_305 = tpu.memref_slice %dma_start3A_302[%dma_start3A_303, %dma_start3A_304] : memref<100000x32xf32, #tpu.memory_space<hbm>> -> memref<100000x32xf32, #tpu.memory_space<hbm>>
      tpu.enqueue_indirect_dma source(%dma_start3A_305 : memref<100000x32xf32, #tpu.memory_space<hbm>>) target(%dma_start3A_295 : memref<64x32xf32, #tpu.memory_space<vmem>>) offsets(%dma_start3A_298 : memref<64xi32, #tpu.memory_space<vmem>>) semaphore(%arg8 : memref<!tpu.dma_semaphore, #tpu.memory_space<semaphore_mem>>)
      %dma_start3A_306 = arith.constant 20 : i32
      %dma_start3A_307 = arith.constant 20 : i32
      %dma_start3A_308 = arith.constant 1280 : i32
      %dma_start3A_309 = arith.constant 0 : i32
      %dma_start3A_310 = tpu.memref_slice %arg6[%dma_start3A_308, %dma_start3A_309] : memref<1664x32xf32, #tpu.memory_space<vmem>> -> memref<64x32xf32, #tpu.memory_space<vmem>>
      %dma_start3A_311 = arith.constant 0 : i32
      %dma_start3A_312 = tpu.memref_slice %arg5[%dma_start3A_307, %dma_start3A_311] : memref<26x64xi32, #tpu.memory_space<vmem>> -> memref<1x64xi32, #tpu.memory_space<vmem>>
      %dma_start3A_313 = tpu.memref_squeeze %dma_start3A_312 : memref<1x64xi32, #tpu.memory_space<vmem>> -> memref<64xi32, #tpu.memory_space<vmem>>
      %dma_start3A_314 = arith.constant 0 : i32
      %dma_start3A_315 = arith.constant 0 : i32
      %dma_start3A_316 = tpu.memref_slice %arg3[%dma_start3A_306, %dma_start3A_314, %dma_start3A_315] : memref<26x100000x32xf32, #tpu.memory_space<hbm>> -> memref<1x100000x32xf32, #tpu.memory_space<hbm>>
      %dma_start3A_317 = tpu.memref_squeeze %dma_start3A_316 : memref<1x100000x32xf32, #tpu.memory_space<hbm>> -> memref<100000x32xf32, #tpu.memory_space<hbm>>
      %dma_start3A_318 = arith.constant 0 : i32
      %dma_start3A_319 = arith.constant 0 : i32
      %dma_start3A_320 = tpu.memref_slice %dma_start3A_317[%dma_start3A_318, %dma_start3A_319] : memref<100000x32xf32, #tpu.memory_space<hbm>> -> memref<100000x32xf32, #tpu.memory_space<hbm>>
      tpu.enqueue_indirect_dma source(%dma_start3A_320 : memref<100000x32xf32, #tpu.memory_space<hbm>>) target(%dma_start3A_310 : memref<64x32xf32, #tpu.memory_space<vmem>>) offsets(%dma_start3A_313 : memref<64xi32, #tpu.memory_space<vmem>>) semaphore(%arg8 : memref<!tpu.dma_semaphore, #tpu.memory_space<semaphore_mem>>)
      %dma_start3A_321 = arith.constant 21 : i32
      %dma_start3A_322 = arith.constant 21 : i32
      %dma_start3A_323 = arith.constant 1344 : i32
      %dma_start3A_324 = arith.constant 0 : i32
      %dma_start3A_325 = tpu.memref_slice %arg6[%dma_start3A_323, %dma_start3A_324] : memref<1664x32xf32, #tpu.memory_space<vmem>> -> memref<64x32xf32, #tpu.memory_space<vmem>>
      %dma_start3A_326 = arith.constant 0 : i32
      %dma_start3A_327 = tpu.memref_slice %arg5[%dma_start3A_322, %dma_start3A_326] : memref<26x64xi32, #tpu.memory_space<vmem>> -> memref<1x64xi32, #tpu.memory_space<vmem>>
      %dma_start3A_328 = tpu.memref_squeeze %dma_start3A_327 : memref<1x64xi32, #tpu.memory_space<vmem>> -> memref<64xi32, #tpu.memory_space<vmem>>
      %dma_start3A_329 = arith.constant 0 : i32
      %dma_start3A_330 = arith.constant 0 : i32
      %dma_start3A_331 = tpu.memref_slice %arg3[%dma_start3A_321, %dma_start3A_329, %dma_start3A_330] : memref<26x100000x32xf32, #tpu.memory_space<hbm>> -> memref<1x100000x32xf32, #tpu.memory_space<hbm>>
      %dma_start3A_332 = tpu.memref_squeeze %dma_start3A_331 : memref<1x100000x32xf32, #tpu.memory_space<hbm>> -> memref<100000x32xf32, #tpu.memory_space<hbm>>
      %dma_start3A_333 = arith.constant 0 : i32
      %dma_start3A_334 = arith.constant 0 : i32
      %dma_start3A_335 = tpu.memref_slice %dma_start3A_332[%dma_start3A_333, %dma_start3A_334] : memref<100000x32xf32, #tpu.memory_space<hbm>> -> memref<100000x32xf32, #tpu.memory_space<hbm>>
      tpu.enqueue_indirect_dma source(%dma_start3A_335 : memref<100000x32xf32, #tpu.memory_space<hbm>>) target(%dma_start3A_325 : memref<64x32xf32, #tpu.memory_space<vmem>>) offsets(%dma_start3A_328 : memref<64xi32, #tpu.memory_space<vmem>>) semaphore(%arg8 : memref<!tpu.dma_semaphore, #tpu.memory_space<semaphore_mem>>)
      %dma_start3A_336 = arith.constant 22 : i32
      %dma_start3A_337 = arith.constant 22 : i32
      %dma_start3A_338 = arith.constant 1408 : i32
      %dma_start3A_339 = arith.constant 0 : i32
      %dma_start3A_340 = tpu.memref_slice %arg6[%dma_start3A_338, %dma_start3A_339] : memref<1664x32xf32, #tpu.memory_space<vmem>> -> memref<64x32xf32, #tpu.memory_space<vmem>>
      %dma_start3A_341 = arith.constant 0 : i32
      %dma_start3A_342 = tpu.memref_slice %arg5[%dma_start3A_337, %dma_start3A_341] : memref<26x64xi32, #tpu.memory_space<vmem>> -> memref<1x64xi32, #tpu.memory_space<vmem>>
      %dma_start3A_343 = tpu.memref_squeeze %dma_start3A_342 : memref<1x64xi32, #tpu.memory_space<vmem>> -> memref<64xi32, #tpu.memory_space<vmem>>
      %dma_start3A_344 = arith.constant 0 : i32
      %dma_start3A_345 = arith.constant 0 : i32
      %dma_start3A_346 = tpu.memref_slice %arg3[%dma_start3A_336, %dma_start3A_344, %dma_start3A_345] : memref<26x100000x32xf32, #tpu.memory_space<hbm>> -> memref<1x100000x32xf32, #tpu.memory_space<hbm>>
      %dma_start3A_347 = tpu.memref_squeeze %dma_start3A_346 : memref<1x100000x32xf32, #tpu.memory_space<hbm>> -> memref<100000x32xf32, #tpu.memory_space<hbm>>
      %dma_start3A_348 = arith.constant 0 : i32
      %dma_start3A_349 = arith.constant 0 : i32
      %dma_start3A_350 = tpu.memref_slice %dma_start3A_347[%dma_start3A_348, %dma_start3A_349] : memref<100000x32xf32, #tpu.memory_space<hbm>> -> memref<100000x32xf32, #tpu.memory_space<hbm>>
      tpu.enqueue_indirect_dma source(%dma_start3A_350 : memref<100000x32xf32, #tpu.memory_space<hbm>>) target(%dma_start3A_340 : memref<64x32xf32, #tpu.memory_space<vmem>>) offsets(%dma_start3A_343 : memref<64xi32, #tpu.memory_space<vmem>>) semaphore(%arg8 : memref<!tpu.dma_semaphore, #tpu.memory_space<semaphore_mem>>)
      %dma_start3A_351 = arith.constant 23 : i32
      %dma_start3A_352 = arith.constant 23 : i32
      %dma_start3A_353 = arith.constant 1472 : i32
      %dma_start3A_354 = arith.constant 0 : i32
      %dma_start3A_355 = tpu.memref_slice %arg6[%dma_start3A_353, %dma_start3A_354] : memref<1664x32xf32, #tpu.memory_space<vmem>> -> memref<64x32xf32, #tpu.memory_space<vmem>>
      %dma_start3A_356 = arith.constant 0 : i32
      %dma_start3A_357 = tpu.memref_slice %arg5[%dma_start3A_352, %dma_start3A_356] : memref<26x64xi32, #tpu.memory_space<vmem>> -> memref<1x64xi32, #tpu.memory_space<vmem>>
      %dma_start3A_358 = tpu.memref_squeeze %dma_start3A_357 : memref<1x64xi32, #tpu.memory_space<vmem>> -> memref<64xi32, #tpu.memory_space<vmem>>
      %dma_start3A_359 = arith.constant 0 : i32
      %dma_start3A_360 = arith.constant 0 : i32
      %dma_start3A_361 = tpu.memref_slice %arg3[%dma_start3A_351, %dma_start3A_359, %dma_start3A_360] : memref<26x100000x32xf32, #tpu.memory_space<hbm>> -> memref<1x100000x32xf32, #tpu.memory_space<hbm>>
      %dma_start3A_362 = tpu.memref_squeeze %dma_start3A_361 : memref<1x100000x32xf32, #tpu.memory_space<hbm>> -> memref<100000x32xf32, #tpu.memory_space<hbm>>
      %dma_start3A_363 = arith.constant 0 : i32
      %dma_start3A_364 = arith.constant 0 : i32
      %dma_start3A_365 = tpu.memref_slice %dma_start3A_362[%dma_start3A_363, %dma_start3A_364] : memref<100000x32xf32, #tpu.memory_space<hbm>> -> memref<100000x32xf32, #tpu.memory_space<hbm>>
      tpu.enqueue_indirect_dma source(%dma_start3A_365 : memref<100000x32xf32, #tpu.memory_space<hbm>>) target(%dma_start3A_355 : memref<64x32xf32, #tpu.memory_space<vmem>>) offsets(%dma_start3A_358 : memref<64xi32, #tpu.memory_space<vmem>>) semaphore(%arg8 : memref<!tpu.dma_semaphore, #tpu.memory_space<semaphore_mem>>)
      %dma_start3A_366 = arith.constant 24 : i32
      %dma_start3A_367 = arith.constant 24 : i32
      %dma_start3A_368 = arith.constant 1536 : i32
      %dma_start3A_369 = arith.constant 0 : i32
      %dma_start3A_370 = tpu.memref_slice %arg6[%dma_start3A_368, %dma_start3A_369] : memref<1664x32xf32, #tpu.memory_space<vmem>> -> memref<64x32xf32, #tpu.memory_space<vmem>>
      %dma_start3A_371 = arith.constant 0 : i32
      %dma_start3A_372 = tpu.memref_slice %arg5[%dma_start3A_367, %dma_start3A_371] : memref<26x64xi32, #tpu.memory_space<vmem>> -> memref<1x64xi32, #tpu.memory_space<vmem>>
      %dma_start3A_373 = tpu.memref_squeeze %dma_start3A_372 : memref<1x64xi32, #tpu.memory_space<vmem>> -> memref<64xi32, #tpu.memory_space<vmem>>
      %dma_start3A_374 = arith.constant 0 : i32
      %dma_start3A_375 = arith.constant 0 : i32
      %dma_start3A_376 = tpu.memref_slice %arg3[%dma_start3A_366, %dma_start3A_374, %dma_start3A_375] : memref<26x100000x32xf32, #tpu.memory_space<hbm>> -> memref<1x100000x32xf32, #tpu.memory_space<hbm>>
      %dma_start3A_377 = tpu.memref_squeeze %dma_start3A_376 : memref<1x100000x32xf32, #tpu.memory_space<hbm>> -> memref<100000x32xf32, #tpu.memory_space<hbm>>
      %dma_start3A_378 = arith.constant 0 : i32
      %dma_start3A_379 = arith.constant 0 : i32
      %dma_start3A_380 = tpu.memref_slice %dma_start3A_377[%dma_start3A_378, %dma_start3A_379] : memref<100000x32xf32, #tpu.memory_space<hbm>> -> memref<100000x32xf32, #tpu.memory_space<hbm>>
      tpu.enqueue_indirect_dma source(%dma_start3A_380 : memref<100000x32xf32, #tpu.memory_space<hbm>>) target(%dma_start3A_370 : memref<64x32xf32, #tpu.memory_space<vmem>>) offsets(%dma_start3A_373 : memref<64xi32, #tpu.memory_space<vmem>>) semaphore(%arg8 : memref<!tpu.dma_semaphore, #tpu.memory_space<semaphore_mem>>)
      %dma_start3A_381 = arith.constant 25 : i32
      %dma_start3A_382 = arith.constant 25 : i32
      %dma_start3A_383 = arith.constant 1600 : i32
      %dma_start3A_384 = arith.constant 0 : i32
      %dma_start3A_385 = tpu.memref_slice %arg6[%dma_start3A_383, %dma_start3A_384] : memref<1664x32xf32, #tpu.memory_space<vmem>> -> memref<64x32xf32, #tpu.memory_space<vmem>>
      %dma_start3A_386 = arith.constant 0 : i32
      %dma_start3A_387 = tpu.memref_slice %arg5[%dma_start3A_382, %dma_start3A_386] : memref<26x64xi32, #tpu.memory_space<vmem>> -> memref<1x64xi32, #tpu.memory_space<vmem>>
      %dma_start3A_388 = tpu.memref_squeeze %dma_start3A_387 : memref<1x64xi32, #tpu.memory_space<vmem>> -> memref<64xi32, #tpu.memory_space<vmem>>
      %dma_start3A_389 = arith.constant 0 : i32
      %dma_start3A_390 = arith.constant 0 : i32
      %dma_start3A_391 = tpu.memref_slice %arg3[%dma_start3A_381, %dma_start3A_389, %dma_start3A_390] : memref<26x100000x32xf32, #tpu.memory_space<hbm>> -> memref<1x100000x32xf32, #tpu.memory_space<hbm>>
      %dma_start3A_392 = tpu.memref_squeeze %dma_start3A_391 : memref<1x100000x32xf32, #tpu.memory_space<hbm>> -> memref<100000x32xf32, #tpu.memory_space<hbm>>
      %dma_start3A_393 = arith.constant 0 : i32
      %dma_start3A_394 = arith.constant 0 : i32
      %dma_start3A_395 = tpu.memref_slice %dma_start3A_392[%dma_start3A_393, %dma_start3A_394] : memref<100000x32xf32, #tpu.memory_space<hbm>> -> memref<100000x32xf32, #tpu.memory_space<hbm>>
      tpu.enqueue_indirect_dma source(%dma_start3A_395 : memref<100000x32xf32, #tpu.memory_space<hbm>>) target(%dma_start3A_385 : memref<64x32xf32, #tpu.memory_space<vmem>>) offsets(%dma_start3A_388 : memref<64xi32, #tpu.memory_space<vmem>>) semaphore(%arg8 : memref<!tpu.dma_semaphore, #tpu.memory_space<semaphore_mem>>)
      %dma_wait3A = arith.constant 0 : i32
      %dma_wait3A_396 = arith.constant 0 : i32
      %dma_wait3A_397 = arith.constant 0 : i32
      %dma_wait3A_398 = arith.constant 0 : i32
      %dma_wait3A_399 = tpu.memref_slice %arg6[%dma_wait3A_397, %dma_wait3A_398] : memref<1664x32xf32, #tpu.memory_space<vmem>> -> memref<64x32xf32, #tpu.memory_space<vmem>>
      %dma_wait3A_400 = arith.constant 0 : i32
      %dma_wait3A_401 = tpu.memref_slice %arg5[%dma_wait3A_396, %dma_wait3A_400] : memref<26x64xi32, #tpu.memory_space<vmem>> -> memref<1x64xi32, #tpu.memory_space<vmem>>
      %dma_wait3A_402 = tpu.memref_squeeze %dma_wait3A_401 : memref<1x64xi32, #tpu.memory_space<vmem>> -> memref<64xi32, #tpu.memory_space<vmem>>
      %dma_wait3A_403 = arith.constant 0 : i32
      %dma_wait3A_404 = arith.constant 0 : i32
      %dma_wait3A_405 = tpu.memref_slice %arg3[%dma_wait3A, %dma_wait3A_403, %dma_wait3A_404] : memref<26x100000x32xf32, #tpu.memory_space<hbm>> -> memref<1x100000x32xf32, #tpu.memory_space<hbm>>
      %dma_wait3A_406 = tpu.memref_squeeze %dma_wait3A_405 : memref<1x100000x32xf32, #tpu.memory_space<hbm>> -> memref<100000x32xf32, #tpu.memory_space<hbm>>
      %dma_wait3A_407 = arith.constant 0 : i32
      %dma_wait3A_408 = arith.constant 0 : i32
      %dma_wait3A_409 = tpu.memref_slice %dma_wait3A_406[%dma_wait3A_407, %dma_wait3A_408] : memref<100000x32xf32, #tpu.memory_space<hbm>> -> memref<100000x32xf32, #tpu.memory_space<hbm>>
      tpu.wait_indirect_dma semaphore(%arg8 : memref<!tpu.dma_semaphore, #tpu.memory_space<semaphore_mem>>) src(%dma_wait3A_409 : memref<100000x32xf32, #tpu.memory_space<hbm>>) dst(%dma_wait3A_399 : memref<64x32xf32, #tpu.memory_space<vmem>>)
      %dma_wait3A_410 = arith.constant 1 : i32
      %dma_wait3A_411 = arith.constant 1 : i32
      %dma_wait3A_412 = arith.constant 64 : i32
      %dma_wait3A_413 = arith.constant 0 : i32
      %dma_wait3A_414 = tpu.memref_slice %arg6[%dma_wait3A_412, %dma_wait3A_413] : memref<1664x32xf32, #tpu.memory_space<vmem>> -> memref<64x32xf32, #tpu.memory_space<vmem>>
      %dma_wait3A_415 = arith.constant 0 : i32
      %dma_wait3A_416 = tpu.memref_slice %arg5[%dma_wait3A_411, %dma_wait3A_415] : memref<26x64xi32, #tpu.memory_space<vmem>> -> memref<1x64xi32, #tpu.memory_space<vmem>>
      %dma_wait3A_417 = tpu.memref_squeeze %dma_wait3A_416 : memref<1x64xi32, #tpu.memory_space<vmem>> -> memref<64xi32, #tpu.memory_space<vmem>>
      %dma_wait3A_418 = arith.constant 0 : i32
      %dma_wait3A_419 = arith.constant 0 : i32
      %dma_wait3A_420 = tpu.memref_slice %arg3[%dma_wait3A_410, %dma_wait3A_418, %dma_wait3A_419] : memref<26x100000x32xf32, #tpu.memory_space<hbm>> -> memref<1x100000x32xf32, #tpu.memory_space<hbm>>
      %dma_wait3A_421 = tpu.memref_squeeze %dma_wait3A_420 : memref<1x100000x32xf32, #tpu.memory_space<hbm>> -> memref<100000x32xf32, #tpu.memory_space<hbm>>
      %dma_wait3A_422 = arith.constant 0 : i32
      %dma_wait3A_423 = arith.constant 0 : i32
      %dma_wait3A_424 = tpu.memref_slice %dma_wait3A_421[%dma_wait3A_422, %dma_wait3A_423] : memref<100000x32xf32, #tpu.memory_space<hbm>> -> memref<100000x32xf32, #tpu.memory_space<hbm>>
      tpu.wait_indirect_dma semaphore(%arg8 : memref<!tpu.dma_semaphore, #tpu.memory_space<semaphore_mem>>) src(%dma_wait3A_424 : memref<100000x32xf32, #tpu.memory_space<hbm>>) dst(%dma_wait3A_414 : memref<64x32xf32, #tpu.memory_space<vmem>>)
      %dma_wait3A_425 = arith.constant 2 : i32
      %dma_wait3A_426 = arith.constant 2 : i32
      %dma_wait3A_427 = arith.constant 128 : i32
      %dma_wait3A_428 = arith.constant 0 : i32
      %dma_wait3A_429 = tpu.memref_slice %arg6[%dma_wait3A_427, %dma_wait3A_428] : memref<1664x32xf32, #tpu.memory_space<vmem>> -> memref<64x32xf32, #tpu.memory_space<vmem>>
      %dma_wait3A_430 = arith.constant 0 : i32
      %dma_wait3A_431 = tpu.memref_slice %arg5[%dma_wait3A_426, %dma_wait3A_430] : memref<26x64xi32, #tpu.memory_space<vmem>> -> memref<1x64xi32, #tpu.memory_space<vmem>>
      %dma_wait3A_432 = tpu.memref_squeeze %dma_wait3A_431 : memref<1x64xi32, #tpu.memory_space<vmem>> -> memref<64xi32, #tpu.memory_space<vmem>>
      %dma_wait3A_433 = arith.constant 0 : i32
      %dma_wait3A_434 = arith.constant 0 : i32
      %dma_wait3A_435 = tpu.memref_slice %arg3[%dma_wait3A_425, %dma_wait3A_433, %dma_wait3A_434] : memref<26x100000x32xf32, #tpu.memory_space<hbm>> -> memref<1x100000x32xf32, #tpu.memory_space<hbm>>
      %dma_wait3A_436 = tpu.memref_squeeze %dma_wait3A_435 : memref<1x100000x32xf32, #tpu.memory_space<hbm>> -> memref<100000x32xf32, #tpu.memory_space<hbm>>
      %dma_wait3A_437 = arith.constant 0 : i32
      %dma_wait3A_438 = arith.constant 0 : i32
      %dma_wait3A_439 = tpu.memref_slice %dma_wait3A_436[%dma_wait3A_437, %dma_wait3A_438] : memref<100000x32xf32, #tpu.memory_space<hbm>> -> memref<100000x32xf32, #tpu.memory_space<hbm>>
      tpu.wait_indirect_dma semaphore(%arg8 : memref<!tpu.dma_semaphore, #tpu.memory_space<semaphore_mem>>) src(%dma_wait3A_439 : memref<100000x32xf32, #tpu.memory_space<hbm>>) dst(%dma_wait3A_429 : memref<64x32xf32, #tpu.memory_space<vmem>>)
      %dma_wait3A_440 = arith.constant 3 : i32
      %dma_wait3A_441 = arith.constant 3 : i32
      %dma_wait3A_442 = arith.constant 192 : i32
      %dma_wait3A_443 = arith.constant 0 : i32
      %dma_wait3A_444 = tpu.memref_slice %arg6[%dma_wait3A_442, %dma_wait3A_443] : memref<1664x32xf32, #tpu.memory_space<vmem>> -> memref<64x32xf32, #tpu.memory_space<vmem>>
      %dma_wait3A_445 = arith.constant 0 : i32
      %dma_wait3A_446 = tpu.memref_slice %arg5[%dma_wait3A_441, %dma_wait3A_445] : memref<26x64xi32, #tpu.memory_space<vmem>> -> memref<1x64xi32, #tpu.memory_space<vmem>>
      %dma_wait3A_447 = tpu.memref_squeeze %dma_wait3A_446 : memref<1x64xi32, #tpu.memory_space<vmem>> -> memref<64xi32, #tpu.memory_space<vmem>>
      %dma_wait3A_448 = arith.constant 0 : i32
      %dma_wait3A_449 = arith.constant 0 : i32
      %dma_wait3A_450 = tpu.memref_slice %arg3[%dma_wait3A_440, %dma_wait3A_448, %dma_wait3A_449] : memref<26x100000x32xf32, #tpu.memory_space<hbm>> -> memref<1x100000x32xf32, #tpu.memory_space<hbm>>
      %dma_wait3A_451 = tpu.memref_squeeze %dma_wait3A_450 : memref<1x100000x32xf32, #tpu.memory_space<hbm>> -> memref<100000x32xf32, #tpu.memory_space<hbm>>
      %dma_wait3A_452 = arith.constant 0 : i32
      %dma_wait3A_453 = arith.constant 0 : i32
      %dma_wait3A_454 = tpu.memref_slice %dma_wait3A_451[%dma_wait3A_452, %dma_wait3A_453] : memref<100000x32xf32, #tpu.memory_space<hbm>> -> memref<100000x32xf32, #tpu.memory_space<hbm>>
      tpu.wait_indirect_dma semaphore(%arg8 : memref<!tpu.dma_semaphore, #tpu.memory_space<semaphore_mem>>) src(%dma_wait3A_454 : memref<100000x32xf32, #tpu.memory_space<hbm>>) dst(%dma_wait3A_444 : memref<64x32xf32, #tpu.memory_space<vmem>>)
      %dma_wait3A_455 = arith.constant 4 : i32
      %dma_wait3A_456 = arith.constant 4 : i32
      %dma_wait3A_457 = arith.constant 256 : i32
      %dma_wait3A_458 = arith.constant 0 : i32
      %dma_wait3A_459 = tpu.memref_slice %arg6[%dma_wait3A_457, %dma_wait3A_458] : memref<1664x32xf32, #tpu.memory_space<vmem>> -> memref<64x32xf32, #tpu.memory_space<vmem>>
      %dma_wait3A_460 = arith.constant 0 : i32
      %dma_wait3A_461 = tpu.memref_slice %arg5[%dma_wait3A_456, %dma_wait3A_460] : memref<26x64xi32, #tpu.memory_space<vmem>> -> memref<1x64xi32, #tpu.memory_space<vmem>>
      %dma_wait3A_462 = tpu.memref_squeeze %dma_wait3A_461 : memref<1x64xi32, #tpu.memory_space<vmem>> -> memref<64xi32, #tpu.memory_space<vmem>>
      %dma_wait3A_463 = arith.constant 0 : i32
      %dma_wait3A_464 = arith.constant 0 : i32
      %dma_wait3A_465 = tpu.memref_slice %arg3[%dma_wait3A_455, %dma_wait3A_463, %dma_wait3A_464] : memref<26x100000x32xf32, #tpu.memory_space<hbm>> -> memref<1x100000x32xf32, #tpu.memory_space<hbm>>
      %dma_wait3A_466 = tpu.memref_squeeze %dma_wait3A_465 : memref<1x100000x32xf32, #tpu.memory_space<hbm>> -> memref<100000x32xf32, #tpu.memory_space<hbm>>
      %dma_wait3A_467 = arith.constant 0 : i32
      %dma_wait3A_468 = arith.constant 0 : i32
      %dma_wait3A_469 = tpu.memref_slice %dma_wait3A_466[%dma_wait3A_467, %dma_wait3A_468] : memref<100000x32xf32, #tpu.memory_space<hbm>> -> memref<100000x32xf32, #tpu.memory_space<hbm>>
      tpu.wait_indirect_dma semaphore(%arg8 : memref<!tpu.dma_semaphore, #tpu.memory_space<semaphore_mem>>) src(%dma_wait3A_469 : memref<100000x32xf32, #tpu.memory_space<hbm>>) dst(%dma_wait3A_459 : memref<64x32xf32, #tpu.memory_space<vmem>>)
      %dma_wait3A_470 = arith.constant 5 : i32
      %dma_wait3A_471 = arith.constant 5 : i32
      %dma_wait3A_472 = arith.constant 320 : i32
      %dma_wait3A_473 = arith.constant 0 : i32
      %dma_wait3A_474 = tpu.memref_slice %arg6[%dma_wait3A_472, %dma_wait3A_473] : memref<1664x32xf32, #tpu.memory_space<vmem>> -> memref<64x32xf32, #tpu.memory_space<vmem>>
      %dma_wait3A_475 = arith.constant 0 : i32
      %dma_wait3A_476 = tpu.memref_slice %arg5[%dma_wait3A_471, %dma_wait3A_475] : memref<26x64xi32, #tpu.memory_space<vmem>> -> memref<1x64xi32, #tpu.memory_space<vmem>>
      %dma_wait3A_477 = tpu.memref_squeeze %dma_wait3A_476 : memref<1x64xi32, #tpu.memory_space<vmem>> -> memref<64xi32, #tpu.memory_space<vmem>>
      %dma_wait3A_478 = arith.constant 0 : i32
      %dma_wait3A_479 = arith.constant 0 : i32
      %dma_wait3A_480 = tpu.memref_slice %arg3[%dma_wait3A_470, %dma_wait3A_478, %dma_wait3A_479] : memref<26x100000x32xf32, #tpu.memory_space<hbm>> -> memref<1x100000x32xf32, #tpu.memory_space<hbm>>
      %dma_wait3A_481 = tpu.memref_squeeze %dma_wait3A_480 : memref<1x100000x32xf32, #tpu.memory_space<hbm>> -> memref<100000x32xf32, #tpu.memory_space<hbm>>
      %dma_wait3A_482 = arith.constant 0 : i32
      %dma_wait3A_483 = arith.constant 0 : i32
      %dma_wait3A_484 = tpu.memref_slice %dma_wait3A_481[%dma_wait3A_482, %dma_wait3A_483] : memref<100000x32xf32, #tpu.memory_space<hbm>> -> memref<100000x32xf32, #tpu.memory_space<hbm>>
      tpu.wait_indirect_dma semaphore(%arg8 : memref<!tpu.dma_semaphore, #tpu.memory_space<semaphore_mem>>) src(%dma_wait3A_484 : memref<100000x32xf32, #tpu.memory_space<hbm>>) dst(%dma_wait3A_474 : memref<64x32xf32, #tpu.memory_space<vmem>>)
      %dma_wait3A_485 = arith.constant 6 : i32
      %dma_wait3A_486 = arith.constant 6 : i32
      %dma_wait3A_487 = arith.constant 384 : i32
      %dma_wait3A_488 = arith.constant 0 : i32
      %dma_wait3A_489 = tpu.memref_slice %arg6[%dma_wait3A_487, %dma_wait3A_488] : memref<1664x32xf32, #tpu.memory_space<vmem>> -> memref<64x32xf32, #tpu.memory_space<vmem>>
      %dma_wait3A_490 = arith.constant 0 : i32
      %dma_wait3A_491 = tpu.memref_slice %arg5[%dma_wait3A_486, %dma_wait3A_490] : memref<26x64xi32, #tpu.memory_space<vmem>> -> memref<1x64xi32, #tpu.memory_space<vmem>>
      %dma_wait3A_492 = tpu.memref_squeeze %dma_wait3A_491 : memref<1x64xi32, #tpu.memory_space<vmem>> -> memref<64xi32, #tpu.memory_space<vmem>>
      %dma_wait3A_493 = arith.constant 0 : i32
      %dma_wait3A_494 = arith.constant 0 : i32
      %dma_wait3A_495 = tpu.memref_slice %arg3[%dma_wait3A_485, %dma_wait3A_493, %dma_wait3A_494] : memref<26x100000x32xf32, #tpu.memory_space<hbm>> -> memref<1x100000x32xf32, #tpu.memory_space<hbm>>
      %dma_wait3A_496 = tpu.memref_squeeze %dma_wait3A_495 : memref<1x100000x32xf32, #tpu.memory_space<hbm>> -> memref<100000x32xf32, #tpu.memory_space<hbm>>
      %dma_wait3A_497 = arith.constant 0 : i32
      %dma_wait3A_498 = arith.constant 0 : i32
      %dma_wait3A_499 = tpu.memref_slice %dma_wait3A_496[%dma_wait3A_497, %dma_wait3A_498] : memref<100000x32xf32, #tpu.memory_space<hbm>> -> memref<100000x32xf32, #tpu.memory_space<hbm>>
      tpu.wait_indirect_dma semaphore(%arg8 : memref<!tpu.dma_semaphore, #tpu.memory_space<semaphore_mem>>) src(%dma_wait3A_499 : memref<100000x32xf32, #tpu.memory_space<hbm>>) dst(%dma_wait3A_489 : memref<64x32xf32, #tpu.memory_space<vmem>>)
      %dma_wait3A_500 = arith.constant 7 : i32
      %dma_wait3A_501 = arith.constant 7 : i32
      %dma_wait3A_502 = arith.constant 448 : i32
      %dma_wait3A_503 = arith.constant 0 : i32
      %dma_wait3A_504 = tpu.memref_slice %arg6[%dma_wait3A_502, %dma_wait3A_503] : memref<1664x32xf32, #tpu.memory_space<vmem>> -> memref<64x32xf32, #tpu.memory_space<vmem>>
      %dma_wait3A_505 = arith.constant 0 : i32
      %dma_wait3A_506 = tpu.memref_slice %arg5[%dma_wait3A_501, %dma_wait3A_505] : memref<26x64xi32, #tpu.memory_space<vmem>> -> memref<1x64xi32, #tpu.memory_space<vmem>>
      %dma_wait3A_507 = tpu.memref_squeeze %dma_wait3A_506 : memref<1x64xi32, #tpu.memory_space<vmem>> -> memref<64xi32, #tpu.memory_space<vmem>>
      %dma_wait3A_508 = arith.constant 0 : i32
      %dma_wait3A_509 = arith.constant 0 : i32
      %dma_wait3A_510 = tpu.memref_slice %arg3[%dma_wait3A_500, %dma_wait3A_508, %dma_wait3A_509] : memref<26x100000x32xf32, #tpu.memory_space<hbm>> -> memref<1x100000x32xf32, #tpu.memory_space<hbm>>
      %dma_wait3A_511 = tpu.memref_squeeze %dma_wait3A_510 : memref<1x100000x32xf32, #tpu.memory_space<hbm>> -> memref<100000x32xf32, #tpu.memory_space<hbm>>
      %dma_wait3A_512 = arith.constant 0 : i32
      %dma_wait3A_513 = arith.constant 0 : i32
      %dma_wait3A_514 = tpu.memref_slice %dma_wait3A_511[%dma_wait3A_512, %dma_wait3A_513] : memref<100000x32xf32, #tpu.memory_space<hbm>> -> memref<100000x32xf32, #tpu.memory_space<hbm>>
      tpu.wait_indirect_dma semaphore(%arg8 : memref<!tpu.dma_semaphore, #tpu.memory_space<semaphore_mem>>) src(%dma_wait3A_514 : memref<100000x32xf32, #tpu.memory_space<hbm>>) dst(%dma_wait3A_504 : memref<64x32xf32, #tpu.memory_space<vmem>>)
      %dma_wait3A_515 = arith.constant 8 : i32
      %dma_wait3A_516 = arith.constant 8 : i32
      %dma_wait3A_517 = arith.constant 512 : i32
      %dma_wait3A_518 = arith.constant 0 : i32
      %dma_wait3A_519 = tpu.memref_slice %arg6[%dma_wait3A_517, %dma_wait3A_518] : memref<1664x32xf32, #tpu.memory_space<vmem>> -> memref<64x32xf32, #tpu.memory_space<vmem>>
      %dma_wait3A_520 = arith.constant 0 : i32
      %dma_wait3A_521 = tpu.memref_slice %arg5[%dma_wait3A_516, %dma_wait3A_520] : memref<26x64xi32, #tpu.memory_space<vmem>> -> memref<1x64xi32, #tpu.memory_space<vmem>>
      %dma_wait3A_522 = tpu.memref_squeeze %dma_wait3A_521 : memref<1x64xi32, #tpu.memory_space<vmem>> -> memref<64xi32, #tpu.memory_space<vmem>>
      %dma_wait3A_523 = arith.constant 0 : i32
      %dma_wait3A_524 = arith.constant 0 : i32
      %dma_wait3A_525 = tpu.memref_slice %arg3[%dma_wait3A_515, %dma_wait3A_523, %dma_wait3A_524] : memref<26x100000x32xf32, #tpu.memory_space<hbm>> -> memref<1x100000x32xf32, #tpu.memory_space<hbm>>
      %dma_wait3A_526 = tpu.memref_squeeze %dma_wait3A_525 : memref<1x100000x32xf32, #tpu.memory_space<hbm>> -> memref<100000x32xf32, #tpu.memory_space<hbm>>
      %dma_wait3A_527 = arith.constant 0 : i32
      %dma_wait3A_528 = arith.constant 0 : i32
      %dma_wait3A_529 = tpu.memref_slice %dma_wait3A_526[%dma_wait3A_527, %dma_wait3A_528] : memref<100000x32xf32, #tpu.memory_space<hbm>> -> memref<100000x32xf32, #tpu.memory_space<hbm>>
      tpu.wait_indirect_dma semaphore(%arg8 : memref<!tpu.dma_semaphore, #tpu.memory_space<semaphore_mem>>) src(%dma_wait3A_529 : memref<100000x32xf32, #tpu.memory_space<hbm>>) dst(%dma_wait3A_519 : memref<64x32xf32, #tpu.memory_space<vmem>>)
      %dma_wait3A_530 = arith.constant 9 : i32
      %dma_wait3A_531 = arith.constant 9 : i32
      %dma_wait3A_532 = arith.constant 576 : i32
      %dma_wait3A_533 = arith.constant 0 : i32
      %dma_wait3A_534 = tpu.memref_slice %arg6[%dma_wait3A_532, %dma_wait3A_533] : memref<1664x32xf32, #tpu.memory_space<vmem>> -> memref<64x32xf32, #tpu.memory_space<vmem>>
      %dma_wait3A_535 = arith.constant 0 : i32
      %dma_wait3A_536 = tpu.memref_slice %arg5[%dma_wait3A_531, %dma_wait3A_535] : memref<26x64xi32, #tpu.memory_space<vmem>> -> memref<1x64xi32, #tpu.memory_space<vmem>>
      %dma_wait3A_537 = tpu.memref_squeeze %dma_wait3A_536 : memref<1x64xi32, #tpu.memory_space<vmem>> -> memref<64xi32, #tpu.memory_space<vmem>>
      %dma_wait3A_538 = arith.constant 0 : i32
      %dma_wait3A_539 = arith.constant 0 : i32
      %dma_wait3A_540 = tpu.memref_slice %arg3[%dma_wait3A_530, %dma_wait3A_538, %dma_wait3A_539] : memref<26x100000x32xf32, #tpu.memory_space<hbm>> -> memref<1x100000x32xf32, #tpu.memory_space<hbm>>
      %dma_wait3A_541 = tpu.memref_squeeze %dma_wait3A_540 : memref<1x100000x32xf32, #tpu.memory_space<hbm>> -> memref<100000x32xf32, #tpu.memory_space<hbm>>
      %dma_wait3A_542 = arith.constant 0 : i32
      %dma_wait3A_543 = arith.constant 0 : i32
      %dma_wait3A_544 = tpu.memref_slice %dma_wait3A_541[%dma_wait3A_542, %dma_wait3A_543] : memref<100000x32xf32, #tpu.memory_space<hbm>> -> memref<100000x32xf32, #tpu.memory_space<hbm>>
      tpu.wait_indirect_dma semaphore(%arg8 : memref<!tpu.dma_semaphore, #tpu.memory_space<semaphore_mem>>) src(%dma_wait3A_544 : memref<100000x32xf32, #tpu.memory_space<hbm>>) dst(%dma_wait3A_534 : memref<64x32xf32, #tpu.memory_space<vmem>>)
      %dma_wait3A_545 = arith.constant 10 : i32
      %dma_wait3A_546 = arith.constant 10 : i32
      %dma_wait3A_547 = arith.constant 640 : i32
      %dma_wait3A_548 = arith.constant 0 : i32
      %dma_wait3A_549 = tpu.memref_slice %arg6[%dma_wait3A_547, %dma_wait3A_548] : memref<1664x32xf32, #tpu.memory_space<vmem>> -> memref<64x32xf32, #tpu.memory_space<vmem>>
      %dma_wait3A_550 = arith.constant 0 : i32
      %dma_wait3A_551 = tpu.memref_slice %arg5[%dma_wait3A_546, %dma_wait3A_550] : memref<26x64xi32, #tpu.memory_space<vmem>> -> memref<1x64xi32, #tpu.memory_space<vmem>>
      %dma_wait3A_552 = tpu.memref_squeeze %dma_wait3A_551 : memref<1x64xi32, #tpu.memory_space<vmem>> -> memref<64xi32, #tpu.memory_space<vmem>>
      %dma_wait3A_553 = arith.constant 0 : i32
      %dma_wait3A_554 = arith.constant 0 : i32
      %dma_wait3A_555 = tpu.memref_slice %arg3[%dma_wait3A_545, %dma_wait3A_553, %dma_wait3A_554] : memref<26x100000x32xf32, #tpu.memory_space<hbm>> -> memref<1x100000x32xf32, #tpu.memory_space<hbm>>
      %dma_wait3A_556 = tpu.memref_squeeze %dma_wait3A_555 : memref<1x100000x32xf32, #tpu.memory_space<hbm>> -> memref<100000x32xf32, #tpu.memory_space<hbm>>
      %dma_wait3A_557 = arith.constant 0 : i32
      %dma_wait3A_558 = arith.constant 0 : i32
      %dma_wait3A_559 = tpu.memref_slice %dma_wait3A_556[%dma_wait3A_557, %dma_wait3A_558] : memref<100000x32xf32, #tpu.memory_space<hbm>> -> memref<100000x32xf32, #tpu.memory_space<hbm>>
      tpu.wait_indirect_dma semaphore(%arg8 : memref<!tpu.dma_semaphore, #tpu.memory_space<semaphore_mem>>) src(%dma_wait3A_559 : memref<100000x32xf32, #tpu.memory_space<hbm>>) dst(%dma_wait3A_549 : memref<64x32xf32, #tpu.memory_space<vmem>>)
      %dma_wait3A_560 = arith.constant 11 : i32
      %dma_wait3A_561 = arith.constant 11 : i32
      %dma_wait3A_562 = arith.constant 704 : i32
      %dma_wait3A_563 = arith.constant 0 : i32
      %dma_wait3A_564 = tpu.memref_slice %arg6[%dma_wait3A_562, %dma_wait3A_563] : memref<1664x32xf32, #tpu.memory_space<vmem>> -> memref<64x32xf32, #tpu.memory_space<vmem>>
      %dma_wait3A_565 = arith.constant 0 : i32
      %dma_wait3A_566 = tpu.memref_slice %arg5[%dma_wait3A_561, %dma_wait3A_565] : memref<26x64xi32, #tpu.memory_space<vmem>> -> memref<1x64xi32, #tpu.memory_space<vmem>>
      %dma_wait3A_567 = tpu.memref_squeeze %dma_wait3A_566 : memref<1x64xi32, #tpu.memory_space<vmem>> -> memref<64xi32, #tpu.memory_space<vmem>>
      %dma_wait3A_568 = arith.constant 0 : i32
      %dma_wait3A_569 = arith.constant 0 : i32
      %dma_wait3A_570 = tpu.memref_slice %arg3[%dma_wait3A_560, %dma_wait3A_568, %dma_wait3A_569] : memref<26x100000x32xf32, #tpu.memory_space<hbm>> -> memref<1x100000x32xf32, #tpu.memory_space<hbm>>
      %dma_wait3A_571 = tpu.memref_squeeze %dma_wait3A_570 : memref<1x100000x32xf32, #tpu.memory_space<hbm>> -> memref<100000x32xf32, #tpu.memory_space<hbm>>
      %dma_wait3A_572 = arith.constant 0 : i32
      %dma_wait3A_573 = arith.constant 0 : i32
      %dma_wait3A_574 = tpu.memref_slice %dma_wait3A_571[%dma_wait3A_572, %dma_wait3A_573] : memref<100000x32xf32, #tpu.memory_space<hbm>> -> memref<100000x32xf32, #tpu.memory_space<hbm>>
      tpu.wait_indirect_dma semaphore(%arg8 : memref<!tpu.dma_semaphore, #tpu.memory_space<semaphore_mem>>) src(%dma_wait3A_574 : memref<100000x32xf32, #tpu.memory_space<hbm>>) dst(%dma_wait3A_564 : memref<64x32xf32, #tpu.memory_space<vmem>>)
      %dma_wait3A_575 = arith.constant 12 : i32
      %dma_wait3A_576 = arith.constant 12 : i32
      %dma_wait3A_577 = arith.constant 768 : i32
      %dma_wait3A_578 = arith.constant 0 : i32
      %dma_wait3A_579 = tpu.memref_slice %arg6[%dma_wait3A_577, %dma_wait3A_578] : memref<1664x32xf32, #tpu.memory_space<vmem>> -> memref<64x32xf32, #tpu.memory_space<vmem>>
      %dma_wait3A_580 = arith.constant 0 : i32
      %dma_wait3A_581 = tpu.memref_slice %arg5[%dma_wait3A_576, %dma_wait3A_580] : memref<26x64xi32, #tpu.memory_space<vmem>> -> memref<1x64xi32, #tpu.memory_space<vmem>>
      %dma_wait3A_582 = tpu.memref_squeeze %dma_wait3A_581 : memref<1x64xi32, #tpu.memory_space<vmem>> -> memref<64xi32, #tpu.memory_space<vmem>>
      %dma_wait3A_583 = arith.constant 0 : i32
      %dma_wait3A_584 = arith.constant 0 : i32
      %dma_wait3A_585 = tpu.memref_slice %arg3[%dma_wait3A_575, %dma_wait3A_583, %dma_wait3A_584] : memref<26x100000x32xf32, #tpu.memory_space<hbm>> -> memref<1x100000x32xf32, #tpu.memory_space<hbm>>
      %dma_wait3A_586 = tpu.memref_squeeze %dma_wait3A_585 : memref<1x100000x32xf32, #tpu.memory_space<hbm>> -> memref<100000x32xf32, #tpu.memory_space<hbm>>
      %dma_wait3A_587 = arith.constant 0 : i32
      %dma_wait3A_588 = arith.constant 0 : i32
      %dma_wait3A_589 = tpu.memref_slice %dma_wait3A_586[%dma_wait3A_587, %dma_wait3A_588] : memref<100000x32xf32, #tpu.memory_space<hbm>> -> memref<100000x32xf32, #tpu.memory_space<hbm>>
      tpu.wait_indirect_dma semaphore(%arg8 : memref<!tpu.dma_semaphore, #tpu.memory_space<semaphore_mem>>) src(%dma_wait3A_589 : memref<100000x32xf32, #tpu.memory_space<hbm>>) dst(%dma_wait3A_579 : memref<64x32xf32, #tpu.memory_space<vmem>>)
      %dma_wait3A_590 = arith.constant 13 : i32
      %dma_wait3A_591 = arith.constant 13 : i32
      %dma_wait3A_592 = arith.constant 832 : i32
      %dma_wait3A_593 = arith.constant 0 : i32
      %dma_wait3A_594 = tpu.memref_slice %arg6[%dma_wait3A_592, %dma_wait3A_593] : memref<1664x32xf32, #tpu.memory_space<vmem>> -> memref<64x32xf32, #tpu.memory_space<vmem>>
      %dma_wait3A_595 = arith.constant 0 : i32
      %dma_wait3A_596 = tpu.memref_slice %arg5[%dma_wait3A_591, %dma_wait3A_595] : memref<26x64xi32, #tpu.memory_space<vmem>> -> memref<1x64xi32, #tpu.memory_space<vmem>>
      %dma_wait3A_597 = tpu.memref_squeeze %dma_wait3A_596 : memref<1x64xi32, #tpu.memory_space<vmem>> -> memref<64xi32, #tpu.memory_space<vmem>>
      %dma_wait3A_598 = arith.constant 0 : i32
      %dma_wait3A_599 = arith.constant 0 : i32
      %dma_wait3A_600 = tpu.memref_slice %arg3[%dma_wait3A_590, %dma_wait3A_598, %dma_wait3A_599] : memref<26x100000x32xf32, #tpu.memory_space<hbm>> -> memref<1x100000x32xf32, #tpu.memory_space<hbm>>
      %dma_wait3A_601 = tpu.memref_squeeze %dma_wait3A_600 : memref<1x100000x32xf32, #tpu.memory_space<hbm>> -> memref<100000x32xf32, #tpu.memory_space<hbm>>
      %dma_wait3A_602 = arith.constant 0 : i32
      %dma_wait3A_603 = arith.constant 0 : i32
      %dma_wait3A_604 = tpu.memref_slice %dma_wait3A_601[%dma_wait3A_602, %dma_wait3A_603] : memref<100000x32xf32, #tpu.memory_space<hbm>> -> memref<100000x32xf32, #tpu.memory_space<hbm>>
      tpu.wait_indirect_dma semaphore(%arg8 : memref<!tpu.dma_semaphore, #tpu.memory_space<semaphore_mem>>) src(%dma_wait3A_604 : memref<100000x32xf32, #tpu.memory_space<hbm>>) dst(%dma_wait3A_594 : memref<64x32xf32, #tpu.memory_space<vmem>>)
      %dma_wait3A_605 = arith.constant 14 : i32
      %dma_wait3A_606 = arith.constant 14 : i32
      %dma_wait3A_607 = arith.constant 896 : i32
      %dma_wait3A_608 = arith.constant 0 : i32
      %dma_wait3A_609 = tpu.memref_slice %arg6[%dma_wait3A_607, %dma_wait3A_608] : memref<1664x32xf32, #tpu.memory_space<vmem>> -> memref<64x32xf32, #tpu.memory_space<vmem>>
      %dma_wait3A_610 = arith.constant 0 : i32
      %dma_wait3A_611 = tpu.memref_slice %arg5[%dma_wait3A_606, %dma_wait3A_610] : memref<26x64xi32, #tpu.memory_space<vmem>> -> memref<1x64xi32, #tpu.memory_space<vmem>>
      %dma_wait3A_612 = tpu.memref_squeeze %dma_wait3A_611 : memref<1x64xi32, #tpu.memory_space<vmem>> -> memref<64xi32, #tpu.memory_space<vmem>>
      %dma_wait3A_613 = arith.constant 0 : i32
      %dma_wait3A_614 = arith.constant 0 : i32
      %dma_wait3A_615 = tpu.memref_slice %arg3[%dma_wait3A_605, %dma_wait3A_613, %dma_wait3A_614] : memref<26x100000x32xf32, #tpu.memory_space<hbm>> -> memref<1x100000x32xf32, #tpu.memory_space<hbm>>
      %dma_wait3A_616 = tpu.memref_squeeze %dma_wait3A_615 : memref<1x100000x32xf32, #tpu.memory_space<hbm>> -> memref<100000x32xf32, #tpu.memory_space<hbm>>
      %dma_wait3A_617 = arith.constant 0 : i32
      %dma_wait3A_618 = arith.constant 0 : i32
      %dma_wait3A_619 = tpu.memref_slice %dma_wait3A_616[%dma_wait3A_617, %dma_wait3A_618] : memref<100000x32xf32, #tpu.memory_space<hbm>> -> memref<100000x32xf32, #tpu.memory_space<hbm>>
      tpu.wait_indirect_dma semaphore(%arg8 : memref<!tpu.dma_semaphore, #tpu.memory_space<semaphore_mem>>) src(%dma_wait3A_619 : memref<100000x32xf32, #tpu.memory_space<hbm>>) dst(%dma_wait3A_609 : memref<64x32xf32, #tpu.memory_space<vmem>>)
      %dma_wait3A_620 = arith.constant 15 : i32
      %dma_wait3A_621 = arith.constant 15 : i32
      %dma_wait3A_622 = arith.constant 960 : i32
      %dma_wait3A_623 = arith.constant 0 : i32
      %dma_wait3A_624 = tpu.memref_slice %arg6[%dma_wait3A_622, %dma_wait3A_623] : memref<1664x32xf32, #tpu.memory_space<vmem>> -> memref<64x32xf32, #tpu.memory_space<vmem>>
      %dma_wait3A_625 = arith.constant 0 : i32
      %dma_wait3A_626 = tpu.memref_slice %arg5[%dma_wait3A_621, %dma_wait3A_625] : memref<26x64xi32, #tpu.memory_space<vmem>> -> memref<1x64xi32, #tpu.memory_space<vmem>>
      %dma_wait3A_627 = tpu.memref_squeeze %dma_wait3A_626 : memref<1x64xi32, #tpu.memory_space<vmem>> -> memref<64xi32, #tpu.memory_space<vmem>>
      %dma_wait3A_628 = arith.constant 0 : i32
      %dma_wait3A_629 = arith.constant 0 : i32
      %dma_wait3A_630 = tpu.memref_slice %arg3[%dma_wait3A_620, %dma_wait3A_628, %dma_wait3A_629] : memref<26x100000x32xf32, #tpu.memory_space<hbm>> -> memref<1x100000x32xf32, #tpu.memory_space<hbm>>
      %dma_wait3A_631 = tpu.memref_squeeze %dma_wait3A_630 : memref<1x100000x32xf32, #tpu.memory_space<hbm>> -> memref<100000x32xf32, #tpu.memory_space<hbm>>
      %dma_wait3A_632 = arith.constant 0 : i32
      %dma_wait3A_633 = arith.constant 0 : i32
      %dma_wait3A_634 = tpu.memref_slice %dma_wait3A_631[%dma_wait3A_632, %dma_wait3A_633] : memref<100000x32xf32, #tpu.memory_space<hbm>> -> memref<100000x32xf32, #tpu.memory_space<hbm>>
      tpu.wait_indirect_dma semaphore(%arg8 : memref<!tpu.dma_semaphore, #tpu.memory_space<semaphore_mem>>) src(%dma_wait3A_634 : memref<100000x32xf32, #tpu.memory_space<hbm>>) dst(%dma_wait3A_624 : memref<64x32xf32, #tpu.memory_space<vmem>>)
      %dma_wait3A_635 = arith.constant 16 : i32
      %dma_wait3A_636 = arith.constant 16 : i32
      %dma_wait3A_637 = arith.constant 1024 : i32
      %dma_wait3A_638 = arith.constant 0 : i32
      %dma_wait3A_639 = tpu.memref_slice %arg6[%dma_wait3A_637, %dma_wait3A_638] : memref<1664x32xf32, #tpu.memory_space<vmem>> -> memref<64x32xf32, #tpu.memory_space<vmem>>
      %dma_wait3A_640 = arith.constant 0 : i32
      %dma_wait3A_641 = tpu.memref_slice %arg5[%dma_wait3A_636, %dma_wait3A_640] : memref<26x64xi32, #tpu.memory_space<vmem>> -> memref<1x64xi32, #tpu.memory_space<vmem>>
      %dma_wait3A_642 = tpu.memref_squeeze %dma_wait3A_641 : memref<1x64xi32, #tpu.memory_space<vmem>> -> memref<64xi32, #tpu.memory_space<vmem>>
      %dma_wait3A_643 = arith.constant 0 : i32
      %dma_wait3A_644 = arith.constant 0 : i32
      %dma_wait3A_645 = tpu.memref_slice %arg3[%dma_wait3A_635, %dma_wait3A_643, %dma_wait3A_644] : memref<26x100000x32xf32, #tpu.memory_space<hbm>> -> memref<1x100000x32xf32, #tpu.memory_space<hbm>>
      %dma_wait3A_646 = tpu.memref_squeeze %dma_wait3A_645 : memref<1x100000x32xf32, #tpu.memory_space<hbm>> -> memref<100000x32xf32, #tpu.memory_space<hbm>>
      %dma_wait3A_647 = arith.constant 0 : i32
      %dma_wait3A_648 = arith.constant 0 : i32
      %dma_wait3A_649 = tpu.memref_slice %dma_wait3A_646[%dma_wait3A_647, %dma_wait3A_648] : memref<100000x32xf32, #tpu.memory_space<hbm>> -> memref<100000x32xf32, #tpu.memory_space<hbm>>
      tpu.wait_indirect_dma semaphore(%arg8 : memref<!tpu.dma_semaphore, #tpu.memory_space<semaphore_mem>>) src(%dma_wait3A_649 : memref<100000x32xf32, #tpu.memory_space<hbm>>) dst(%dma_wait3A_639 : memref<64x32xf32, #tpu.memory_space<vmem>>)
      %dma_wait3A_650 = arith.constant 17 : i32
      %dma_wait3A_651 = arith.constant 17 : i32
      %dma_wait3A_652 = arith.constant 1088 : i32
      %dma_wait3A_653 = arith.constant 0 : i32
      %dma_wait3A_654 = tpu.memref_slice %arg6[%dma_wait3A_652, %dma_wait3A_653] : memref<1664x32xf32, #tpu.memory_space<vmem>> -> memref<64x32xf32, #tpu.memory_space<vmem>>
      %dma_wait3A_655 = arith.constant 0 : i32
      %dma_wait3A_656 = tpu.memref_slice %arg5[%dma_wait3A_651, %dma_wait3A_655] : memref<26x64xi32, #tpu.memory_space<vmem>> -> memref<1x64xi32, #tpu.memory_space<vmem>>
      %dma_wait3A_657 = tpu.memref_squeeze %dma_wait3A_656 : memref<1x64xi32, #tpu.memory_space<vmem>> -> memref<64xi32, #tpu.memory_space<vmem>>
      %dma_wait3A_658 = arith.constant 0 : i32
      %dma_wait3A_659 = arith.constant 0 : i32
      %dma_wait3A_660 = tpu.memref_slice %arg3[%dma_wait3A_650, %dma_wait3A_658, %dma_wait3A_659] : memref<26x100000x32xf32, #tpu.memory_space<hbm>> -> memref<1x100000x32xf32, #tpu.memory_space<hbm>>
      %dma_wait3A_661 = tpu.memref_squeeze %dma_wait3A_660 : memref<1x100000x32xf32, #tpu.memory_space<hbm>> -> memref<100000x32xf32, #tpu.memory_space<hbm>>
      %dma_wait3A_662 = arith.constant 0 : i32
      %dma_wait3A_663 = arith.constant 0 : i32
      %dma_wait3A_664 = tpu.memref_slice %dma_wait3A_661[%dma_wait3A_662, %dma_wait3A_663] : memref<100000x32xf32, #tpu.memory_space<hbm>> -> memref<100000x32xf32, #tpu.memory_space<hbm>>
      tpu.wait_indirect_dma semaphore(%arg8 : memref<!tpu.dma_semaphore, #tpu.memory_space<semaphore_mem>>) src(%dma_wait3A_664 : memref<100000x32xf32, #tpu.memory_space<hbm>>) dst(%dma_wait3A_654 : memref<64x32xf32, #tpu.memory_space<vmem>>)
      %dma_wait3A_665 = arith.constant 18 : i32
      %dma_wait3A_666 = arith.constant 18 : i32
      %dma_wait3A_667 = arith.constant 1152 : i32
      %dma_wait3A_668 = arith.constant 0 : i32
      %dma_wait3A_669 = tpu.memref_slice %arg6[%dma_wait3A_667, %dma_wait3A_668] : memref<1664x32xf32, #tpu.memory_space<vmem>> -> memref<64x32xf32, #tpu.memory_space<vmem>>
      %dma_wait3A_670 = arith.constant 0 : i32
      %dma_wait3A_671 = tpu.memref_slice %arg5[%dma_wait3A_666, %dma_wait3A_670] : memref<26x64xi32, #tpu.memory_space<vmem>> -> memref<1x64xi32, #tpu.memory_space<vmem>>
      %dma_wait3A_672 = tpu.memref_squeeze %dma_wait3A_671 : memref<1x64xi32, #tpu.memory_space<vmem>> -> memref<64xi32, #tpu.memory_space<vmem>>
      %dma_wait3A_673 = arith.constant 0 : i32
      %dma_wait3A_674 = arith.constant 0 : i32
      %dma_wait3A_675 = tpu.memref_slice %arg3[%dma_wait3A_665, %dma_wait3A_673, %dma_wait3A_674] : memref<26x100000x32xf32, #tpu.memory_space<hbm>> -> memref<1x100000x32xf32, #tpu.memory_space<hbm>>
      %dma_wait3A_676 = tpu.memref_squeeze %dma_wait3A_675 : memref<1x100000x32xf32, #tpu.memory_space<hbm>> -> memref<100000x32xf32, #tpu.memory_space<hbm>>
      %dma_wait3A_677 = arith.constant 0 : i32
      %dma_wait3A_678 = arith.constant 0 : i32
      %dma_wait3A_679 = tpu.memref_slice %dma_wait3A_676[%dma_wait3A_677, %dma_wait3A_678] : memref<100000x32xf32, #tpu.memory_space<hbm>> -> memref<100000x32xf32, #tpu.memory_space<hbm>>
      tpu.wait_indirect_dma semaphore(%arg8 : memref<!tpu.dma_semaphore, #tpu.memory_space<semaphore_mem>>) src(%dma_wait3A_679 : memref<100000x32xf32, #tpu.memory_space<hbm>>) dst(%dma_wait3A_669 : memref<64x32xf32, #tpu.memory_space<vmem>>)
      %dma_wait3A_680 = arith.constant 19 : i32
      %dma_wait3A_681 = arith.constant 19 : i32
      %dma_wait3A_682 = arith.constant 1216 : i32
      %dma_wait3A_683 = arith.constant 0 : i32
      %dma_wait3A_684 = tpu.memref_slice %arg6[%dma_wait3A_682, %dma_wait3A_683] : memref<1664x32xf32, #tpu.memory_space<vmem>> -> memref<64x32xf32, #tpu.memory_space<vmem>>
      %dma_wait3A_685 = arith.constant 0 : i32
      %dma_wait3A_686 = tpu.memref_slice %arg5[%dma_wait3A_681, %dma_wait3A_685] : memref<26x64xi32, #tpu.memory_space<vmem>> -> memref<1x64xi32, #tpu.memory_space<vmem>>
      %dma_wait3A_687 = tpu.memref_squeeze %dma_wait3A_686 : memref<1x64xi32, #tpu.memory_space<vmem>> -> memref<64xi32, #tpu.memory_space<vmem>>
      %dma_wait3A_688 = arith.constant 0 : i32
      %dma_wait3A_689 = arith.constant 0 : i32
      %dma_wait3A_690 = tpu.memref_slice %arg3[%dma_wait3A_680, %dma_wait3A_688, %dma_wait3A_689] : memref<26x100000x32xf32, #tpu.memory_space<hbm>> -> memref<1x100000x32xf32, #tpu.memory_space<hbm>>
      %dma_wait3A_691 = tpu.memref_squeeze %dma_wait3A_690 : memref<1x100000x32xf32, #tpu.memory_space<hbm>> -> memref<100000x32xf32, #tpu.memory_space<hbm>>
      %dma_wait3A_692 = arith.constant 0 : i32
      %dma_wait3A_693 = arith.constant 0 : i32
      %dma_wait3A_694 = tpu.memref_slice %dma_wait3A_691[%dma_wait3A_692, %dma_wait3A_693] : memref<100000x32xf32, #tpu.memory_space<hbm>> -> memref<100000x32xf32, #tpu.memory_space<hbm>>
      tpu.wait_indirect_dma semaphore(%arg8 : memref<!tpu.dma_semaphore, #tpu.memory_space<semaphore_mem>>) src(%dma_wait3A_694 : memref<100000x32xf32, #tpu.memory_space<hbm>>) dst(%dma_wait3A_684 : memref<64x32xf32, #tpu.memory_space<vmem>>)
      %dma_wait3A_695 = arith.constant 20 : i32
      %dma_wait3A_696 = arith.constant 20 : i32
      %dma_wait3A_697 = arith.constant 1280 : i32
      %dma_wait3A_698 = arith.constant 0 : i32
      %dma_wait3A_699 = tpu.memref_slice %arg6[%dma_wait3A_697, %dma_wait3A_698] : memref<1664x32xf32, #tpu.memory_space<vmem>> -> memref<64x32xf32, #tpu.memory_space<vmem>>
      %dma_wait3A_700 = arith.constant 0 : i32
      %dma_wait3A_701 = tpu.memref_slice %arg5[%dma_wait3A_696, %dma_wait3A_700] : memref<26x64xi32, #tpu.memory_space<vmem>> -> memref<1x64xi32, #tpu.memory_space<vmem>>
      %dma_wait3A_702 = tpu.memref_squeeze %dma_wait3A_701 : memref<1x64xi32, #tpu.memory_space<vmem>> -> memref<64xi32, #tpu.memory_space<vmem>>
      %dma_wait3A_703 = arith.constant 0 : i32
      %dma_wait3A_704 = arith.constant 0 : i32
      %dma_wait3A_705 = tpu.memref_slice %arg3[%dma_wait3A_695, %dma_wait3A_703, %dma_wait3A_704] : memref<26x100000x32xf32, #tpu.memory_space<hbm>> -> memref<1x100000x32xf32, #tpu.memory_space<hbm>>
      %dma_wait3A_706 = tpu.memref_squeeze %dma_wait3A_705 : memref<1x100000x32xf32, #tpu.memory_space<hbm>> -> memref<100000x32xf32, #tpu.memory_space<hbm>>
      %dma_wait3A_707 = arith.constant 0 : i32
      %dma_wait3A_708 = arith.constant 0 : i32
      %dma_wait3A_709 = tpu.memref_slice %dma_wait3A_706[%dma_wait3A_707, %dma_wait3A_708] : memref<100000x32xf32, #tpu.memory_space<hbm>> -> memref<100000x32xf32, #tpu.memory_space<hbm>>
      tpu.wait_indirect_dma semaphore(%arg8 : memref<!tpu.dma_semaphore, #tpu.memory_space<semaphore_mem>>) src(%dma_wait3A_709 : memref<100000x32xf32, #tpu.memory_space<hbm>>) dst(%dma_wait3A_699 : memref<64x32xf32, #tpu.memory_space<vmem>>)
      %dma_wait3A_710 = arith.constant 21 : i32
      %dma_wait3A_711 = arith.constant 21 : i32
      %dma_wait3A_712 = arith.constant 1344 : i32
      %dma_wait3A_713 = arith.constant 0 : i32
      %dma_wait3A_714 = tpu.memref_slice %arg6[%dma_wait3A_712, %dma_wait3A_713] : memref<1664x32xf32, #tpu.memory_space<vmem>> -> memref<64x32xf32, #tpu.memory_space<vmem>>
      %dma_wait3A_715 = arith.constant 0 : i32
      %dma_wait3A_716 = tpu.memref_slice %arg5[%dma_wait3A_711, %dma_wait3A_715] : memref<26x64xi32, #tpu.memory_space<vmem>> -> memref<1x64xi32, #tpu.memory_space<vmem>>
      %dma_wait3A_717 = tpu.memref_squeeze %dma_wait3A_716 : memref<1x64xi32, #tpu.memory_space<vmem>> -> memref<64xi32, #tpu.memory_space<vmem>>
      %dma_wait3A_718 = arith.constant 0 : i32
      %dma_wait3A_719 = arith.constant 0 : i32
      %dma_wait3A_720 = tpu.memref_slice %arg3[%dma_wait3A_710, %dma_wait3A_718, %dma_wait3A_719] : memref<26x100000x32xf32, #tpu.memory_space<hbm>> -> memref<1x100000x32xf32, #tpu.memory_space<hbm>>
      %dma_wait3A_721 = tpu.memref_squeeze %dma_wait3A_720 : memref<1x100000x32xf32, #tpu.memory_space<hbm>> -> memref<100000x32xf32, #tpu.memory_space<hbm>>
      %dma_wait3A_722 = arith.constant 0 : i32
      %dma_wait3A_723 = arith.constant 0 : i32
      %dma_wait3A_724 = tpu.memref_slice %dma_wait3A_721[%dma_wait3A_722, %dma_wait3A_723] : memref<100000x32xf32, #tpu.memory_space<hbm>> -> memref<100000x32xf32, #tpu.memory_space<hbm>>
      tpu.wait_indirect_dma semaphore(%arg8 : memref<!tpu.dma_semaphore, #tpu.memory_space<semaphore_mem>>) src(%dma_wait3A_724 : memref<100000x32xf32, #tpu.memory_space<hbm>>) dst(%dma_wait3A_714 : memref<64x32xf32, #tpu.memory_space<vmem>>)
      %dma_wait3A_725 = arith.constant 22 : i32
      %dma_wait3A_726 = arith.constant 22 : i32
      %dma_wait3A_727 = arith.constant 1408 : i32
      %dma_wait3A_728 = arith.constant 0 : i32
      %dma_wait3A_729 = tpu.memref_slice %arg6[%dma_wait3A_727, %dma_wait3A_728] : memref<1664x32xf32, #tpu.memory_space<vmem>> -> memref<64x32xf32, #tpu.memory_space<vmem>>
      %dma_wait3A_730 = arith.constant 0 : i32
      %dma_wait3A_731 = tpu.memref_slice %arg5[%dma_wait3A_726, %dma_wait3A_730] : memref<26x64xi32, #tpu.memory_space<vmem>> -> memref<1x64xi32, #tpu.memory_space<vmem>>
      %dma_wait3A_732 = tpu.memref_squeeze %dma_wait3A_731 : memref<1x64xi32, #tpu.memory_space<vmem>> -> memref<64xi32, #tpu.memory_space<vmem>>
      %dma_wait3A_733 = arith.constant 0 : i32
      %dma_wait3A_734 = arith.constant 0 : i32
      %dma_wait3A_735 = tpu.memref_slice %arg3[%dma_wait3A_725, %dma_wait3A_733, %dma_wait3A_734] : memref<26x100000x32xf32, #tpu.memory_space<hbm>> -> memref<1x100000x32xf32, #tpu.memory_space<hbm>>
      %dma_wait3A_736 = tpu.memref_squeeze %dma_wait3A_735 : memref<1x100000x32xf32, #tpu.memory_space<hbm>> -> memref<100000x32xf32, #tpu.memory_space<hbm>>
      %dma_wait3A_737 = arith.constant 0 : i32
      %dma_wait3A_738 = arith.constant 0 : i32
      %dma_wait3A_739 = tpu.memref_slice %dma_wait3A_736[%dma_wait3A_737, %dma_wait3A_738] : memref<100000x32xf32, #tpu.memory_space<hbm>> -> memref<100000x32xf32, #tpu.memory_space<hbm>>
      tpu.wait_indirect_dma semaphore(%arg8 : memref<!tpu.dma_semaphore, #tpu.memory_space<semaphore_mem>>) src(%dma_wait3A_739 : memref<100000x32xf32, #tpu.memory_space<hbm>>) dst(%dma_wait3A_729 : memref<64x32xf32, #tpu.memory_space<vmem>>)
      %dma_wait3A_740 = arith.constant 23 : i32
      %dma_wait3A_741 = arith.constant 23 : i32
      %dma_wait3A_742 = arith.constant 1472 : i32
      %dma_wait3A_743 = arith.constant 0 : i32
      %dma_wait3A_744 = tpu.memref_slice %arg6[%dma_wait3A_742, %dma_wait3A_743] : memref<1664x32xf32, #tpu.memory_space<vmem>> -> memref<64x32xf32, #tpu.memory_space<vmem>>
      %dma_wait3A_745 = arith.constant 0 : i32
      %dma_wait3A_746 = tpu.memref_slice %arg5[%dma_wait3A_741, %dma_wait3A_745] : memref<26x64xi32, #tpu.memory_space<vmem>> -> memref<1x64xi32, #tpu.memory_space<vmem>>
      %dma_wait3A_747 = tpu.memref_squeeze %dma_wait3A_746 : memref<1x64xi32, #tpu.memory_space<vmem>> -> memref<64xi32, #tpu.memory_space<vmem>>
      %dma_wait3A_748 = arith.constant 0 : i32
      %dma_wait3A_749 = arith.constant 0 : i32
      %dma_wait3A_750 = tpu.memref_slice %arg3[%dma_wait3A_740, %dma_wait3A_748, %dma_wait3A_749] : memref<26x100000x32xf32, #tpu.memory_space<hbm>> -> memref<1x100000x32xf32, #tpu.memory_space<hbm>>
      %dma_wait3A_751 = tpu.memref_squeeze %dma_wait3A_750 : memref<1x100000x32xf32, #tpu.memory_space<hbm>> -> memref<100000x32xf32, #tpu.memory_space<hbm>>
      %dma_wait3A_752 = arith.constant 0 : i32
      %dma_wait3A_753 = arith.constant 0 : i32
      %dma_wait3A_754 = tpu.memref_slice %dma_wait3A_751[%dma_wait3A_752, %dma_wait3A_753] : memref<100000x32xf32, #tpu.memory_space<hbm>> -> memref<100000x32xf32, #tpu.memory_space<hbm>>
      tpu.wait_indirect_dma semaphore(%arg8 : memref<!tpu.dma_semaphore, #tpu.memory_space<semaphore_mem>>) src(%dma_wait3A_754 : memref<100000x32xf32, #tpu.memory_space<hbm>>) dst(%dma_wait3A_744 : memref<64x32xf32, #tpu.memory_space<vmem>>)
      %dma_wait3A_755 = arith.constant 24 : i32
      %dma_wait3A_756 = arith.constant 24 : i32
      %dma_wait3A_757 = arith.constant 1536 : i32
      %dma_wait3A_758 = arith.constant 0 : i32
      %dma_wait3A_759 = tpu.memref_slice %arg6[%dma_wait3A_757, %dma_wait3A_758] : memref<1664x32xf32, #tpu.memory_space<vmem>> -> memref<64x32xf32, #tpu.memory_space<vmem>>
      %dma_wait3A_760 = arith.constant 0 : i32
      %dma_wait3A_761 = tpu.memref_slice %arg5[%dma_wait3A_756, %dma_wait3A_760] : memref<26x64xi32, #tpu.memory_space<vmem>> -> memref<1x64xi32, #tpu.memory_space<vmem>>
      %dma_wait3A_762 = tpu.memref_squeeze %dma_wait3A_761 : memref<1x64xi32, #tpu.memory_space<vmem>> -> memref<64xi32, #tpu.memory_space<vmem>>
      %dma_wait3A_763 = arith.constant 0 : i32
      %dma_wait3A_764 = arith.constant 0 : i32
      %dma_wait3A_765 = tpu.memref_slice %arg3[%dma_wait3A_755, %dma_wait3A_763, %dma_wait3A_764] : memref<26x100000x32xf32, #tpu.memory_space<hbm>> -> memref<1x100000x32xf32, #tpu.memory_space<hbm>>
      %dma_wait3A_766 = tpu.memref_squeeze %dma_wait3A_765 : memref<1x100000x32xf32, #tpu.memory_space<hbm>> -> memref<100000x32xf32, #tpu.memory_space<hbm>>
      %dma_wait3A_767 = arith.constant 0 : i32
      %dma_wait3A_768 = arith.constant 0 : i32
      %dma_wait3A_769 = tpu.memref_slice %dma_wait3A_766[%dma_wait3A_767, %dma_wait3A_768] : memref<100000x32xf32, #tpu.memory_space<hbm>> -> memref<100000x32xf32, #tpu.memory_space<hbm>>
      tpu.wait_indirect_dma semaphore(%arg8 : memref<!tpu.dma_semaphore, #tpu.memory_space<semaphore_mem>>) src(%dma_wait3A_769 : memref<100000x32xf32, #tpu.memory_space<hbm>>) dst(%dma_wait3A_759 : memref<64x32xf32, #tpu.memory_space<vmem>>)
      %dma_wait3A_770 = arith.constant 25 : i32
      %dma_wait3A_771 = arith.constant 25 : i32
      %dma_wait3A_772 = arith.constant 1600 : i32
      %dma_wait3A_773 = arith.constant 0 : i32
      %dma_wait3A_774 = tpu.memref_slice %arg6[%dma_wait3A_772, %dma_wait3A_773] : memref<1664x32xf32, #tpu.memory_space<vmem>> -> memref<64x32xf32, #tpu.memory_space<vmem>>
      %dma_wait3A_775 = arith.constant 0 : i32
      %dma_wait3A_776 = tpu.memref_slice %arg5[%dma_wait3A_771, %dma_wait3A_775] : memref<26x64xi32, #tpu.memory_space<vmem>> -> memref<1x64xi32, #tpu.memory_space<vmem>>
      %dma_wait3A_777 = tpu.memref_squeeze %dma_wait3A_776 : memref<1x64xi32, #tpu.memory_space<vmem>> -> memref<64xi32, #tpu.memory_space<vmem>>
      %dma_wait3A_778 = arith.constant 0 : i32
      %dma_wait3A_779 = arith.constant 0 : i32
      %dma_wait3A_780 = tpu.memref_slice %arg3[%dma_wait3A_770, %dma_wait3A_778, %dma_wait3A_779] : memref<26x100000x32xf32, #tpu.memory_space<hbm>> -> memref<1x100000x32xf32, #tpu.memory_space<hbm>>
      %dma_wait3A_781 = tpu.memref_squeeze %dma_wait3A_780 : memref<1x100000x32xf32, #tpu.memory_space<hbm>> -> memref<100000x32xf32, #tpu.memory_space<hbm>>
      %dma_wait3A_782 = arith.constant 0 : i32
      %dma_wait3A_783 = arith.constant 0 : i32
      %dma_wait3A_784 = tpu.memref_slice %dma_wait3A_781[%dma_wait3A_782, %dma_wait3A_783] : memref<100000x32xf32, #tpu.memory_space<hbm>> -> memref<100000x32xf32, #tpu.memory_space<hbm>>
      tpu.wait_indirect_dma semaphore(%arg8 : memref<!tpu.dma_semaphore, #tpu.memory_space<semaphore_mem>>) src(%dma_wait3A_784 : memref<100000x32xf32, #tpu.memory_space<hbm>>) dst(%dma_wait3A_774 : memref<64x32xf32, #tpu.memory_space<vmem>>)
      %scan3A_785 = arith.constant 0 : i32
      %scan3A_786 = arith.constant 0 : i32
      %scan3A_787 = arith.constant 64 : i32
      %scan3A_788 = arith.addi %scan3A_786, %scan3A_787 : i32
      %scan3A_789 = arith.constant 1 : i32
      scf.for %scan3A_796 = %scan3A_786 to %scan3A_788 step %scan3A_789  : i32 {
        %get3A = arith.index_cast %scan3A_796 : i32 to index
        %get3A_797 = arith.constant 0 : index
        %get3A_798 = tpu.vector_load %arg6[%get3A, %get3A_797] {strides = array<i32>} : memref<1664x32xf32, #tpu.memory_space<vmem>>, vector<1x16xf32>,
        %get3A_799 = vector.shape_cast %get3A_798 : vector<1x16xf32> to vector<16xf32>
        %get3A_800 = arith.index_cast %scan3A_796 : i32 to index
        %get3A_801 = arith.constant 16 : index
        %get3A_802 = tpu.vector_load %arg6[%get3A_800, %get3A_801] {strides = array<i32>} : memref<1664x32xf32, #tpu.memory_space<vmem>>, vector<1x16xf32>,
        %get3A_803 = vector.shape_cast %get3A_802 : vector<1x16xf32> to vector<16xf32>
        %add3A_804 = arith.constant 64 : i32
        %add3A_805 = arith.addi %add3A_804, %scan3A_796 : i32
        %get3A_806 = arith.index_cast %add3A_805 : i32 to index
        %get3A_807 = arith.constant 0 : index
        %get3A_808 = tpu.vector_load %arg6[%get3A_806, %get3A_807] {strides = array<i32>} : memref<1664x32xf32, #tpu.memory_space<vmem>>, vector<1x16xf32>,
        %get3A_809 = vector.shape_cast %get3A_808 : vector<1x16xf32> to vector<16xf32>
        %add3A_810 = arith.addf %get3A_799, %get3A_809 : vector<16xf32>
        %add3A_811 = arith.constant 64 : i32
        %add3A_812 = arith.addi %add3A_811, %scan3A_796 : i32
        %get3A_813 = arith.index_cast %add3A_812 : i32 to index
        %get3A_814 = arith.constant 16 : index
        %get3A_815 = tpu.vector_load %arg6[%get3A_813, %get3A_814] {strides = array<i32>} : memref<1664x32xf32, #tpu.memory_space<vmem>>, vector<1x16xf32>,
        %get3A_816 = vector.shape_cast %get3A_815 : vector<1x16xf32> to vector<16xf32>
        %add3A_817 = arith.addf %get3A_803, %get3A_816 : vector<16xf32>
        %add3A_818 = arith.constant 128 : i32
        %add3A_819 = arith.addi %add3A_818, %scan3A_796 : i32
        %get3A_820 = arith.index_cast %add3A_819 : i32 to index
        %get3A_821 = arith.constant 0 : index
        %get3A_822 = tpu.vector_load %arg6[%get3A_820, %get3A_821] {strides = array<i32>} : memref<1664x32xf32, #tpu.memory_space<vmem>>, vector<1x16xf32>,
        %get3A_823 = vector.shape_cast %get3A_822 : vector<1x16xf32> to vector<16xf32>
        %add3A_824 = arith.addf %add3A_810, %get3A_823 : vector<16xf32>
        %add3A_825 = arith.constant 128 : i32
        %add3A_826 = arith.addi %add3A_825, %scan3A_796 : i32
        %get3A_827 = arith.index_cast %add3A_826 : i32 to index
        %get3A_828 = arith.constant 16 : index
        %get3A_829 = tpu.vector_load %arg6[%get3A_827, %get3A_828] {strides = array<i32>} : memref<1664x32xf32, #tpu.memory_space<vmem>>, vector<1x16xf32>,
        %get3A_830 = vector.shape_cast %get3A_829 : vector<1x16xf32> to vector<16xf32>
        %add3A_831 = arith.addf %add3A_817, %get3A_830 : vector<16xf32>
        %add3A_832 = arith.constant 192 : i32
        %add3A_833 = arith.addi %add3A_832, %scan3A_796 : i32
        %get3A_834 = arith.index_cast %add3A_833 : i32 to index
        %get3A_835 = arith.constant 0 : index
        %get3A_836 = tpu.vector_load %arg6[%get3A_834, %get3A_835] {strides = array<i32>} : memref<1664x32xf32, #tpu.memory_space<vmem>>, vector<1x16xf32>,
        %get3A_837 = vector.shape_cast %get3A_836 : vector<1x16xf32> to vector<16xf32>
        %add3A_838 = arith.addf %add3A_824, %get3A_837 : vector<16xf32>
        %add3A_839 = arith.constant 192 : i32
        %add3A_840 = arith.addi %add3A_839, %scan3A_796 : i32
        %get3A_841 = arith.index_cast %add3A_840 : i32 to index
        %get3A_842 = arith.constant 16 : index
        %get3A_843 = tpu.vector_load %arg6[%get3A_841, %get3A_842] {strides = array<i32>} : memref<1664x32xf32, #tpu.memory_space<vmem>>, vector<1x16xf32>,
        %get3A_844 = vector.shape_cast %get3A_843 : vector<1x16xf32> to vector<16xf32>
        %add3A_845 = arith.addf %add3A_831, %get3A_844 : vector<16xf32>
        %add3A_846 = arith.constant 256 : i32
        %add3A_847 = arith.addi %add3A_846, %scan3A_796 : i32
        %get3A_848 = arith.index_cast %add3A_847 : i32 to index
        %get3A_849 = arith.constant 0 : index
        %get3A_850 = tpu.vector_load %arg6[%get3A_848, %get3A_849] {strides = array<i32>} : memref<1664x32xf32, #tpu.memory_space<vmem>>, vector<1x16xf32>,
        %get3A_851 = vector.shape_cast %get3A_850 : vector<1x16xf32> to vector<16xf32>
        %add3A_852 = arith.addf %add3A_838, %get3A_851 : vector<16xf32>
        %add3A_853 = arith.constant 256 : i32
        %add3A_854 = arith.addi %add3A_853, %scan3A_796 : i32
        %get3A_855 = arith.index_cast %add3A_854 : i32 to index
        %get3A_856 = arith.constant 16 : index
        %get3A_857 = tpu.vector_load %arg6[%get3A_855, %get3A_856] {strides = array<i32>} : memref<1664x32xf32, #tpu.memory_space<vmem>>, vector<1x16xf32>,
        %get3A_858 = vector.shape_cast %get3A_857 : vector<1x16xf32> to vector<16xf32>
        %add3A_859 = arith.addf %add3A_845, %get3A_858 : vector<16xf32>
        %add3A_860 = arith.constant 320 : i32
        %add3A_861 = arith.addi %add3A_860, %scan3A_796 : i32
        %get3A_862 = arith.index_cast %add3A_861 : i32 to index
        %get3A_863 = arith.constant 0 : index
        %get3A_864 = tpu.vector_load %arg6[%get3A_862, %get3A_863] {strides = array<i32>} : memref<1664x32xf32, #tpu.memory_space<vmem>>, vector<1x16xf32>,
        %get3A_865 = vector.shape_cast %get3A_864 : vector<1x16xf32> to vector<16xf32>
        %add3A_866 = arith.addf %add3A_852, %get3A_865 : vector<16xf32>
        %add3A_867 = arith.constant 320 : i32
        %add3A_868 = arith.addi %add3A_867, %scan3A_796 : i32
        %get3A_869 = arith.index_cast %add3A_868 : i32 to index
        %get3A_870 = arith.constant 16 : index
        %get3A_871 = tpu.vector_load %arg6[%get3A_869, %get3A_870] {strides = array<i32>} : memref<1664x32xf32, #tpu.memory_space<vmem>>, vector<1x16xf32>,
        %get3A_872 = vector.shape_cast %get3A_871 : vector<1x16xf32> to vector<16xf32>
        %add3A_873 = arith.addf %add3A_859, %get3A_872 : vector<16xf32>
        %add3A_874 = arith.constant 384 : i32
        %add3A_875 = arith.addi %add3A_874, %scan3A_796 : i32
        %get3A_876 = arith.index_cast %add3A_875 : i32 to index
        %get3A_877 = arith.constant 0 : index
        %get3A_878 = tpu.vector_load %arg6[%get3A_876, %get3A_877] {strides = array<i32>} : memref<1664x32xf32, #tpu.memory_space<vmem>>, vector<1x16xf32>,
        %get3A_879 = vector.shape_cast %get3A_878 : vector<1x16xf32> to vector<16xf32>
        %add3A_880 = arith.addf %add3A_866, %get3A_879 : vector<16xf32>
        %add3A_881 = arith.constant 384 : i32
        %add3A_882 = arith.addi %add3A_881, %scan3A_796 : i32
        %get3A_883 = arith.index_cast %add3A_882 : i32 to index
        %get3A_884 = arith.constant 16 : index
        %get3A_885 = tpu.vector_load %arg6[%get3A_883, %get3A_884] {strides = array<i32>} : memref<1664x32xf32, #tpu.memory_space<vmem>>, vector<1x16xf32>,
        %get3A_886 = vector.shape_cast %get3A_885 : vector<1x16xf32> to vector<16xf32>
        %add3A_887 = arith.addf %add3A_873, %get3A_886 : vector<16xf32>
        %add3A_888 = arith.constant 448 : i32
        %add3A_889 = arith.addi %add3A_888, %scan3A_796 : i32
        %get3A_890 = arith.index_cast %add3A_889 : i32 to index
        %get3A_891 = arith.constant 0 : index
        %get3A_892 = tpu.vector_load %arg6[%get3A_890, %get3A_891] {strides = array<i32>} : memref<1664x32xf32, #tpu.memory_space<vmem>>, vector<1x16xf32>,
        %get3A_893 = vector.shape_cast %get3A_892 : vector<1x16xf32> to vector<16xf32>
        %add3A_894 = arith.addf %add3A_880, %get3A_893 : vector<16xf32>
        %add3A_895 = arith.constant 448 : i32
        %add3A_896 = arith.addi %add3A_895, %scan3A_796 : i32
        %get3A_897 = arith.index_cast %add3A_896 : i32 to index
        %get3A_898 = arith.constant 16 : index
        %get3A_899 = tpu.vector_load %arg6[%get3A_897, %get3A_898] {strides = array<i32>} : memref<1664x32xf32, #tpu.memory_space<vmem>>, vector<1x16xf32>,
        %get3A_900 = vector.shape_cast %get3A_899 : vector<1x16xf32> to vector<16xf32>
        %add3A_901 = arith.addf %add3A_887, %get3A_900 : vector<16xf32>
        %add3A_902 = arith.constant 512 : i32
        %add3A_903 = arith.addi %add3A_902, %scan3A_796 : i32
        %get3A_904 = arith.index_cast %add3A_903 : i32 to index
        %get3A_905 = arith.constant 0 : index
        %get3A_906 = tpu.vector_load %arg6[%get3A_904, %get3A_905] {strides = array<i32>} : memref<1664x32xf32, #tpu.memory_space<vmem>>, vector<1x16xf32>,
        %get3A_907 = vector.shape_cast %get3A_906 : vector<1x16xf32> to vector<16xf32>
        %add3A_908 = arith.addf %add3A_894, %get3A_907 : vector<16xf32>
        %add3A_909 = arith.constant 512 : i32
        %add3A_910 = arith.addi %add3A_909, %scan3A_796 : i32
        %get3A_911 = arith.index_cast %add3A_910 : i32 to index
        %get3A_912 = arith.constant 16 : index
        %get3A_913 = tpu.vector_load %arg6[%get3A_911, %get3A_912] {strides = array<i32>} : memref<1664x32xf32, #tpu.memory_space<vmem>>, vector<1x16xf32>,
        %get3A_914 = vector.shape_cast %get3A_913 : vector<1x16xf32> to vector<16xf32>
        %add3A_915 = arith.addf %add3A_901, %get3A_914 : vector<16xf32>
        %add3A_916 = arith.constant 576 : i32
        %add3A_917 = arith.addi %add3A_916, %scan3A_796 : i32
        %get3A_918 = arith.index_cast %add3A_917 : i32 to index
        %get3A_919 = arith.constant 0 : index
        %get3A_920 = tpu.vector_load %arg6[%get3A_918, %get3A_919] {strides = array<i32>} : memref<1664x32xf32, #tpu.memory_space<vmem>>, vector<1x16xf32>,
        %get3A_921 = vector.shape_cast %get3A_920 : vector<1x16xf32> to vector<16xf32>
        %add3A_922 = arith.addf %add3A_908, %get3A_921 : vector<16xf32>
        %add3A_923 = arith.constant 576 : i32
        %add3A_924 = arith.addi %add3A_923, %scan3A_796 : i32
        %get3A_925 = arith.index_cast %add3A_924 : i32 to index
        %get3A_926 = arith.constant 16 : index
        %get3A_927 = tpu.vector_load %arg6[%get3A_925, %get3A_926] {strides = array<i32>} : memref<1664x32xf32, #tpu.memory_space<vmem>>, vector<1x16xf32>,
        %get3A_928 = vector.shape_cast %get3A_927 : vector<1x16xf32> to vector<16xf32>
        %add3A_929 = arith.addf %add3A_915, %get3A_928 : vector<16xf32>
        %add3A_930 = arith.constant 640 : i32
        %add3A_931 = arith.addi %add3A_930, %scan3A_796 : i32
        %get3A_932 = arith.index_cast %add3A_931 : i32 to index
        %get3A_933 = arith.constant 0 : index
        %get3A_934 = tpu.vector_load %arg6[%get3A_932, %get3A_933] {strides = array<i32>} : memref<1664x32xf32, #tpu.memory_space<vmem>>, vector<1x16xf32>,
        %get3A_935 = vector.shape_cast %get3A_934 : vector<1x16xf32> to vector<16xf32>
        %add3A_936 = arith.addf %add3A_922, %get3A_935 : vector<16xf32>
        %add3A_937 = arith.constant 640 : i32
        %add3A_938 = arith.addi %add3A_937, %scan3A_796 : i32
        %get3A_939 = arith.index_cast %add3A_938 : i32 to index
        %get3A_940 = arith.constant 16 : index
        %get3A_941 = tpu.vector_load %arg6[%get3A_939, %get3A_940] {strides = array<i32>} : memref<1664x32xf32, #tpu.memory_space<vmem>>, vector<1x16xf32>,
        %get3A_942 = vector.shape_cast %get3A_941 : vector<1x16xf32> to vector<16xf32>
        %add3A_943 = arith.addf %add3A_929, %get3A_942 : vector<16xf32>
        %add3A_944 = arith.constant 704 : i32
        %add3A_945 = arith.addi %add3A_944, %scan3A_796 : i32
        %get3A_946 = arith.index_cast %add3A_945 : i32 to index
        %get3A_947 = arith.constant 0 : index
        %get3A_948 = tpu.vector_load %arg6[%get3A_946, %get3A_947] {strides = array<i32>} : memref<1664x32xf32, #tpu.memory_space<vmem>>, vector<1x16xf32>,
        %get3A_949 = vector.shape_cast %get3A_948 : vector<1x16xf32> to vector<16xf32>
        %add3A_950 = arith.addf %add3A_936, %get3A_949 : vector<16xf32>
        %add3A_951 = arith.constant 704 : i32
        %add3A_952 = arith.addi %add3A_951, %scan3A_796 : i32
        %get3A_953 = arith.index_cast %add3A_952 : i32 to index
        %get3A_954 = arith.constant 16 : index
        %get3A_955 = tpu.vector_load %arg6[%get3A_953, %get3A_954] {strides = array<i32>} : memref<1664x32xf32, #tpu.memory_space<vmem>>, vector<1x16xf32>,
        %get3A_956 = vector.shape_cast %get3A_955 : vector<1x16xf32> to vector<16xf32>
        %add3A_957 = arith.addf %add3A_943, %get3A_956 : vector<16xf32>
        %add3A_958 = arith.constant 768 : i32
        %add3A_959 = arith.addi %add3A_958, %scan3A_796 : i32
        %get3A_960 = arith.index_cast %add3A_959 : i32 to index
        %get3A_961 = arith.constant 0 : index
        %get3A_962 = tpu.vector_load %arg6[%get3A_960, %get3A_961] {strides = array<i32>} : memref<1664x32xf32, #tpu.memory_space<vmem>>, vector<1x16xf32>,
        %get3A_963 = vector.shape_cast %get3A_962 : vector<1x16xf32> to vector<16xf32>
        %add3A_964 = arith.addf %add3A_950, %get3A_963 : vector<16xf32>
        %add3A_965 = arith.constant 768 : i32
        %add3A_966 = arith.addi %add3A_965, %scan3A_796 : i32
        %get3A_967 = arith.index_cast %add3A_966 : i32 to index
        %get3A_968 = arith.constant 16 : index
        %get3A_969 = tpu.vector_load %arg6[%get3A_967, %get3A_968] {strides = array<i32>} : memref<1664x32xf32, #tpu.memory_space<vmem>>, vector<1x16xf32>,
        %get3A_970 = vector.shape_cast %get3A_969 : vector<1x16xf32> to vector<16xf32>
        %add3A_971 = arith.addf %add3A_957, %get3A_970 : vector<16xf32>
        %add3A_972 = arith.constant 832 : i32
        %add3A_973 = arith.addi %add3A_972, %scan3A_796 : i32
        %get3A_974 = arith.index_cast %add3A_973 : i32 to index
        %get3A_975 = arith.constant 0 : index
        %get3A_976 = tpu.vector_load %arg6[%get3A_974, %get3A_975] {strides = array<i32>} : memref<1664x32xf32, #tpu.memory_space<vmem>>, vector<1x16xf32>,
        %get3A_977 = vector.shape_cast %get3A_976 : vector<1x16xf32> to vector<16xf32>
        %add3A_978 = arith.addf %add3A_964, %get3A_977 : vector<16xf32>
        %add3A_979 = arith.constant 832 : i32
        %add3A_980 = arith.addi %add3A_979, %scan3A_796 : i32
        %get3A_981 = arith.index_cast %add3A_980 : i32 to index
        %get3A_982 = arith.constant 16 : index
        %get3A_983 = tpu.vector_load %arg6[%get3A_981, %get3A_982] {strides = array<i32>} : memref<1664x32xf32, #tpu.memory_space<vmem>>, vector<1x16xf32>,
        %get3A_984 = vector.shape_cast %get3A_983 : vector<1x16xf32> to vector<16xf32>
        %add3A_985 = arith.addf %add3A_971, %get3A_984 : vector<16xf32>
        %add3A_986 = arith.constant 896 : i32
        %add3A_987 = arith.addi %add3A_986, %scan3A_796 : i32
        %get3A_988 = arith.index_cast %add3A_987 : i32 to index
        %get3A_989 = arith.constant 0 : index
        %get3A_990 = tpu.vector_load %arg6[%get3A_988, %get3A_989] {strides = array<i32>} : memref<1664x32xf32, #tpu.memory_space<vmem>>, vector<1x16xf32>,
        %get3A_991 = vector.shape_cast %get3A_990 : vector<1x16xf32> to vector<16xf32>
        %add3A_992 = arith.addf %add3A_978, %get3A_991 : vector<16xf32>
        %add3A_993 = arith.constant 896 : i32
        %add3A_994 = arith.addi %add3A_993, %scan3A_796 : i32
        %get3A_995 = arith.index_cast %add3A_994 : i32 to index
        %get3A_996 = arith.constant 16 : index
        %get3A_997 = tpu.vector_load %arg6[%get3A_995, %get3A_996] {strides = array<i32>} : memref<1664x32xf32, #tpu.memory_space<vmem>>, vector<1x16xf32>,
        %get3A_998 = vector.shape_cast %get3A_997 : vector<1x16xf32> to vector<16xf32>
        %add3A_999 = arith.addf %add3A_985, %get3A_998 : vector<16xf32>
        %add3A_1000 = arith.constant 960 : i32
        %add3A_1001 = arith.addi %add3A_1000, %scan3A_796 : i32
        %get3A_1002 = arith.index_cast %add3A_1001 : i32 to index
        %get3A_1003 = arith.constant 0 : index
        %get3A_1004 = tpu.vector_load %arg6[%get3A_1002, %get3A_1003] {strides = array<i32>} : memref<1664x32xf32, #tpu.memory_space<vmem>>, vector<1x16xf32>,
        %get3A_1005 = vector.shape_cast %get3A_1004 : vector<1x16xf32> to vector<16xf32>
        %add3A_1006 = arith.addf %add3A_992, %get3A_1005 : vector<16xf32>
        %add3A_1007 = arith.constant 960 : i32
        %add3A_1008 = arith.addi %add3A_1007, %scan3A_796 : i32
        %get3A_1009 = arith.index_cast %add3A_1008 : i32 to index
        %get3A_1010 = arith.constant 16 : index
        %get3A_1011 = tpu.vector_load %arg6[%get3A_1009, %get3A_1010] {strides = array<i32>} : memref<1664x32xf32, #tpu.memory_space<vmem>>, vector<1x16xf32>,
        %get3A_1012 = vector.shape_cast %get3A_1011 : vector<1x16xf32> to vector<16xf32>
        %add3A_1013 = arith.addf %add3A_999, %get3A_1012 : vector<16xf32>
        %add3A_1014 = arith.constant 1024 : i32
        %add3A_1015 = arith.addi %add3A_1014, %scan3A_796 : i32
        %get3A_1016 = arith.index_cast %add3A_1015 : i32 to index
        %get3A_1017 = arith.constant 0 : index
        %get3A_1018 = tpu.vector_load %arg6[%get3A_1016, %get3A_1017] {strides = array<i32>} : memref<1664x32xf32, #tpu.memory_space<vmem>>, vector<1x16xf32>,
        %get3A_1019 = vector.shape_cast %get3A_1018 : vector<1x16xf32> to vector<16xf32>
        %add3A_1020 = arith.addf %add3A_1006, %get3A_1019 : vector<16xf32>
        %add3A_1021 = arith.constant 1024 : i32
        %add3A_1022 = arith.addi %add3A_1021, %scan3A_796 : i32
        %get3A_1023 = arith.index_cast %add3A_1022 : i32 to index
        %get3A_1024 = arith.constant 16 : index
        %get3A_1025 = tpu.vector_load %arg6[%get3A_1023, %get3A_1024] {strides = array<i32>} : memref<1664x32xf32, #tpu.memory_space<vmem>>, vector<1x16xf32>,
        %get3A_1026 = vector.shape_cast %get3A_1025 : vector<1x16xf32> to vector<16xf32>
        %add3A_1027 = arith.addf %add3A_1013, %get3A_1026 : vector<16xf32>
        %add3A_1028 = arith.constant 1088 : i32
        %add3A_1029 = arith.addi %add3A_1028, %scan3A_796 : i32
        %get3A_1030 = arith.index_cast %add3A_1029 : i32 to index
        %get3A_1031 = arith.constant 0 : index
        %get3A_1032 = tpu.vector_load %arg6[%get3A_1030, %get3A_1031] {strides = array<i32>} : memref<1664x32xf32, #tpu.memory_space<vmem>>, vector<1x16xf32>,
        %get3A_1033 = vector.shape_cast %get3A_1032 : vector<1x16xf32> to vector<16xf32>
        %add3A_1034 = arith.addf %add3A_1020, %get3A_1033 : vector<16xf32>
        %add3A_1035 = arith.constant 1088 : i32
        %add3A_1036 = arith.addi %add3A_1035, %scan3A_796 : i32
        %get3A_1037 = arith.index_cast %add3A_1036 : i32 to index
        %get3A_1038 = arith.constant 16 : index
        %get3A_1039 = tpu.vector_load %arg6[%get3A_1037, %get3A_1038] {strides = array<i32>} : memref<1664x32xf32, #tpu.memory_space<vmem>>, vector<1x16xf32>,
        %get3A_1040 = vector.shape_cast %get3A_1039 : vector<1x16xf32> to vector<16xf32>
        %add3A_1041 = arith.addf %add3A_1027, %get3A_1040 : vector<16xf32>
        %add3A_1042 = arith.constant 1152 : i32
        %add3A_1043 = arith.addi %add3A_1042, %scan3A_796 : i32
        %get3A_1044 = arith.index_cast %add3A_1043 : i32 to index
        %get3A_1045 = arith.constant 0 : index
        %get3A_1046 = tpu.vector_load %arg6[%get3A_1044, %get3A_1045] {strides = array<i32>} : memref<1664x32xf32, #tpu.memory_space<vmem>>, vector<1x16xf32>,
        %get3A_1047 = vector.shape_cast %get3A_1046 : vector<1x16xf32> to vector<16xf32>
        %add3A_1048 = arith.addf %add3A_1034, %get3A_1047 : vector<16xf32>
        %add3A_1049 = arith.constant 1152 : i32
        %add3A_1050 = arith.addi %add3A_1049, %scan3A_796 : i32
        %get3A_1051 = arith.index_cast %add3A_1050 : i32 to index
        %get3A_1052 = arith.constant 16 : index
        %get3A_1053 = tpu.vector_load %arg6[%get3A_1051, %get3A_1052] {strides = array<i32>} : memref<1664x32xf32, #tpu.memory_space<vmem>>, vector<1x16xf32>,
        %get3A_1054 = vector.shape_cast %get3A_1053 : vector<1x16xf32> to vector<16xf32>
        %add3A_1055 = arith.addf %add3A_1041, %get3A_1054 : vector<16xf32>
        %add3A_1056 = arith.constant 1216 : i32
        %add3A_1057 = arith.addi %add3A_1056, %scan3A_796 : i32
        %get3A_1058 = arith.index_cast %add3A_1057 : i32 to index
        %get3A_1059 = arith.constant 0 : index
        %get3A_1060 = tpu.vector_load %arg6[%get3A_1058, %get3A_1059] {strides = array<i32>} : memref<1664x32xf32, #tpu.memory_space<vmem>>, vector<1x16xf32>,
        %get3A_1061 = vector.shape_cast %get3A_1060 : vector<1x16xf32> to vector<16xf32>
        %add3A_1062 = arith.addf %add3A_1048, %get3A_1061 : vector<16xf32>
        %add3A_1063 = arith.constant 1216 : i32
        %add3A_1064 = arith.addi %add3A_1063, %scan3A_796 : i32
        %get3A_1065 = arith.index_cast %add3A_1064 : i32 to index
        %get3A_1066 = arith.constant 16 : index
        %get3A_1067 = tpu.vector_load %arg6[%get3A_1065, %get3A_1066] {strides = array<i32>} : memref<1664x32xf32, #tpu.memory_space<vmem>>, vector<1x16xf32>,
        %get3A_1068 = vector.shape_cast %get3A_1067 : vector<1x16xf32> to vector<16xf32>
        %add3A_1069 = arith.addf %add3A_1055, %get3A_1068 : vector<16xf32>
        %add3A_1070 = arith.constant 1280 : i32
        %add3A_1071 = arith.addi %add3A_1070, %scan3A_796 : i32
        %get3A_1072 = arith.index_cast %add3A_1071 : i32 to index
        %get3A_1073 = arith.constant 0 : index
        %get3A_1074 = tpu.vector_load %arg6[%get3A_1072, %get3A_1073] {strides = array<i32>} : memref<1664x32xf32, #tpu.memory_space<vmem>>, vector<1x16xf32>,
        %get3A_1075 = vector.shape_cast %get3A_1074 : vector<1x16xf32> to vector<16xf32>
        %add3A_1076 = arith.addf %add3A_1062, %get3A_1075 : vector<16xf32>
        %add3A_1077 = arith.constant 1280 : i32
        %add3A_1078 = arith.addi %add3A_1077, %scan3A_796 : i32
        %get3A_1079 = arith.index_cast %add3A_1078 : i32 to index
        %get3A_1080 = arith.constant 16 : index
        %get3A_1081 = tpu.vector_load %arg6[%get3A_1079, %get3A_1080] {strides = array<i32>} : memref<1664x32xf32, #tpu.memory_space<vmem>>, vector<1x16xf32>,
        %get3A_1082 = vector.shape_cast %get3A_1081 : vector<1x16xf32> to vector<16xf32>
        %add3A_1083 = arith.addf %add3A_1069, %get3A_1082 : vector<16xf32>
        %add3A_1084 = arith.constant 1344 : i32
        %add3A_1085 = arith.addi %add3A_1084, %scan3A_796 : i32
        %get3A_1086 = arith.index_cast %add3A_1085 : i32 to index
        %get3A_1087 = arith.constant 0 : index
        %get3A_1088 = tpu.vector_load %arg6[%get3A_1086, %get3A_1087] {strides = array<i32>} : memref<1664x32xf32, #tpu.memory_space<vmem>>, vector<1x16xf32>,
        %get3A_1089 = vector.shape_cast %get3A_1088 : vector<1x16xf32> to vector<16xf32>
        %add3A_1090 = arith.addf %add3A_1076, %get3A_1089 : vector<16xf32>
        %add3A_1091 = arith.constant 1344 : i32
        %add3A_1092 = arith.addi %add3A_1091, %scan3A_796 : i32
        %get3A_1093 = arith.index_cast %add3A_1092 : i32 to index
        %get3A_1094 = arith.constant 16 : index
        %get3A_1095 = tpu.vector_load %arg6[%get3A_1093, %get3A_1094] {strides = array<i32>} : memref<1664x32xf32, #tpu.memory_space<vmem>>, vector<1x16xf32>,
        %get3A_1096 = vector.shape_cast %get3A_1095 : vector<1x16xf32> to vector<16xf32>
        %add3A_1097 = arith.addf %add3A_1083, %get3A_1096 : vector<16xf32>
        %add3A_1098 = arith.constant 1408 : i32
        %add3A_1099 = arith.addi %add3A_1098, %scan3A_796 : i32
        %get3A_1100 = arith.index_cast %add3A_1099 : i32 to index
        %get3A_1101 = arith.constant 0 : index
        %get3A_1102 = tpu.vector_load %arg6[%get3A_1100, %get3A_1101] {strides = array<i32>} : memref<1664x32xf32, #tpu.memory_space<vmem>>, vector<1x16xf32>,
        %get3A_1103 = vector.shape_cast %get3A_1102 : vector<1x16xf32> to vector<16xf32>
        %add3A_1104 = arith.addf %add3A_1090, %get3A_1103 : vector<16xf32>
        %add3A_1105 = arith.constant 1408 : i32
        %add3A_1106 = arith.addi %add3A_1105, %scan3A_796 : i32
        %get3A_1107 = arith.index_cast %add3A_1106 : i32 to index
        %get3A_1108 = arith.constant 16 : index
        %get3A_1109 = tpu.vector_load %arg6[%get3A_1107, %get3A_1108] {strides = array<i32>} : memref<1664x32xf32, #tpu.memory_space<vmem>>, vector<1x16xf32>,
        %get3A_1110 = vector.shape_cast %get3A_1109 : vector<1x16xf32> to vector<16xf32>
        %add3A_1111 = arith.addf %add3A_1097, %get3A_1110 : vector<16xf32>
        %add3A_1112 = arith.constant 1472 : i32
        %add3A_1113 = arith.addi %add3A_1112, %scan3A_796 : i32
        %get3A_1114 = arith.index_cast %add3A_1113 : i32 to index
        %get3A_1115 = arith.constant 0 : index
        %get3A_1116 = tpu.vector_load %arg6[%get3A_1114, %get3A_1115] {strides = array<i32>} : memref<1664x32xf32, #tpu.memory_space<vmem>>, vector<1x16xf32>,
        %get3A_1117 = vector.shape_cast %get3A_1116 : vector<1x16xf32> to vector<16xf32>
        %add3A_1118 = arith.addf %add3A_1104, %get3A_1117 : vector<16xf32>
        %add3A_1119 = arith.constant 1472 : i32
        %add3A_1120 = arith.addi %add3A_1119, %scan3A_796 : i32
        %get3A_1121 = arith.index_cast %add3A_1120 : i32 to index
        %get3A_1122 = arith.constant 16 : index
        %get3A_1123 = tpu.vector_load %arg6[%get3A_1121, %get3A_1122] {strides = array<i32>} : memref<1664x32xf32, #tpu.memory_space<vmem>>, vector<1x16xf32>,
        %get3A_1124 = vector.shape_cast %get3A_1123 : vector<1x16xf32> to vector<16xf32>
        %add3A_1125 = arith.addf %add3A_1111, %get3A_1124 : vector<16xf32>
        %add3A_1126 = arith.constant 1536 : i32
        %add3A_1127 = arith.addi %add3A_1126, %scan3A_796 : i32
        %get3A_1128 = arith.index_cast %add3A_1127 : i32 to index
        %get3A_1129 = arith.constant 0 : index
        %get3A_1130 = tpu.vector_load %arg6[%get3A_1128, %get3A_1129] {strides = array<i32>} : memref<1664x32xf32, #tpu.memory_space<vmem>>, vector<1x16xf32>,
        %get3A_1131 = vector.shape_cast %get3A_1130 : vector<1x16xf32> to vector<16xf32>
        %add3A_1132 = arith.addf %add3A_1118, %get3A_1131 : vector<16xf32>
        %add3A_1133 = arith.constant 1536 : i32
        %add3A_1134 = arith.addi %add3A_1133, %scan3A_796 : i32
        %get3A_1135 = arith.index_cast %add3A_1134 : i32 to index
        %get3A_1136 = arith.constant 16 : index
        %get3A_1137 = tpu.vector_load %arg6[%get3A_1135, %get3A_1136] {strides = array<i32>} : memref<1664x32xf32, #tpu.memory_space<vmem>>, vector<1x16xf32>,
        %get3A_1138 = vector.shape_cast %get3A_1137 : vector<1x16xf32> to vector<16xf32>
        %add3A_1139 = arith.addf %add3A_1125, %get3A_1138 : vector<16xf32>
        %add3A_1140 = arith.constant 1600 : i32
        %add3A_1141 = arith.addi %add3A_1140, %scan3A_796 : i32
        %get3A_1142 = arith.index_cast %add3A_1141 : i32 to index
        %get3A_1143 = arith.constant 0 : index
        %get3A_1144 = tpu.vector_load %arg6[%get3A_1142, %get3A_1143] {strides = array<i32>} : memref<1664x32xf32, #tpu.memory_space<vmem>>, vector<1x16xf32>,
        %get3A_1145 = vector.shape_cast %get3A_1144 : vector<1x16xf32> to vector<16xf32>
        %add3A_1146 = arith.addf %add3A_1132, %get3A_1145 : vector<16xf32>
        %add3A_1147 = arith.constant 1600 : i32
        %add3A_1148 = arith.addi %add3A_1147, %scan3A_796 : i32
        %get3A_1149 = arith.index_cast %add3A_1148 : i32 to index
        %get3A_1150 = arith.constant 16 : index
        %get3A_1151 = tpu.vector_load %arg6[%get3A_1149, %get3A_1150] {strides = array<i32>} : memref<1664x32xf32, #tpu.memory_space<vmem>>, vector<1x16xf32>,
        %get3A_1152 = vector.shape_cast %get3A_1151 : vector<1x16xf32> to vector<16xf32>
        %add3A_1153 = arith.addf %add3A_1139, %get3A_1152 : vector<16xf32>
        %swap3A = arith.index_cast %scan3A_796 : i32 to index
        %swap3A_1154 = arith.constant 0 : index
        %swap3A_1155 = tpu.vector_load %arg7[%swap3A, %swap3A_1154] {strides = array<i32>} : memref<64x32xf32, #tpu.memory_space<vmem>>, vector<1x16xf32>,
        %swap3A_1156 = vector.shape_cast %swap3A_1155 : vector<1x16xf32> to vector<16xf32>
        %swap3A_1157 = vector.shape_cast %add3A_1146 : vector<16xf32> to vector<1x16xf32>
        tpu.vector_store %arg7[%swap3A, %swap3A_1154], %swap3A_1157 {strides = array<i32>} : memref<64x32xf32, #tpu.memory_space<vmem>>, vector<1x16xf32>,
        %swap3A_1158 = arith.index_cast %scan3A_796 : i32 to index
        %swap3A_1159 = arith.constant 16 : index
        %swap3A_1160 = tpu.vector_load %arg7[%swap3A_1158, %swap3A_1159] {strides = array<i32>} : memref<64x32xf32, #tpu.memory_space<vmem>>, vector<1x16xf32>,
        %swap3A_1161 = vector.shape_cast %swap3A_1160 : vector<1x16xf32> to vector<16xf32>
        %swap3A_1162 = vector.shape_cast %add3A_1153 : vector<16xf32> to vector<1x16xf32>
        tpu.vector_store %arg7[%swap3A_1158, %swap3A_1159], %swap3A_1162 {strides = array<i32>} : memref<64x32xf32, #tpu.memory_space<vmem>>, vector<1x16xf32>,
      }
      %scan3A_790 = arith.constant 64 : i32
      %mul3A_791 = arith.constant 512 : i32
      %mul3A_792 = arith.muli %add3A, %mul3A_791 : i32
      %mul3A_793 = arith.constant 64 : i32
      %mul3A_794 = arith.muli %scan3A_6, %mul3A_793 : i32
      %add3A_795 = arith.addi %mul3A_792, %mul3A_794 : i32
      "tpu.region"() ({
        %run_scoped3A = tpu.sem_alloc : memref<!tpu.dma_semaphore, #tpu.memory_space<semaphore_mem>>
        %dma_start3A_796 = arith.constant 0 : i32
        %dma_start3A_797 = tpu.memref_slice %arg4[%add3A_795, %dma_start3A_796] : memref<16384x32xf32, #tpu.memory_space<hbm>> -> memref<64x32xf32, #tpu.memory_space<hbm>>
        %dma_start3A_798 = arith.constant 0 : i32
        %dma_start3A_799 = tpu.memref_slice %arg4[%add3A_795, %dma_start3A_798] : memref<16384x32xf32, #tpu.memory_space<hbm>> -> memref<64x32xf32, #tpu.memory_space<hbm>>
        tpu.enqueue_dma source(%arg7 : memref<64x32xf32, #tpu.memory_space<vmem>>) target(%dma_start3A_799 : memref<64x32xf32, #tpu.memory_space<hbm>>) target_semaphore(%run_scoped3A : memref<!tpu.dma_semaphore, #tpu.memory_space<semaphore_mem>>)
        %dma_wait3A_800 = arith.constant 0 : i32
        %dma_wait3A_801 = tpu.memref_slice %arg4[%add3A_795, %dma_wait3A_800] : memref<16384x32xf32, #tpu.memory_space<hbm>> -> memref<64x32xf32, #tpu.memory_space<hbm>>
        %dma_wait3A_802 = arith.constant 0 : i32
        %dma_wait3A_803 = tpu.memref_slice %arg4[%add3A_795, %dma_wait3A_802] : memref<16384x32xf32, #tpu.memory_space<hbm>> -> memref<64x32xf32, #tpu.memory_space<hbm>>
        tpu.wait_dma2 semaphore(%run_scoped3A : memref<!tpu.dma_semaphore, #tpu.memory_space<semaphore_mem>>) src(%arg7 : memref<64x32xf32, #tpu.memory_space<vmem>>) dst(%dma_wait3A_803 : memref<64x32xf32, #tpu.memory_space<hbm>>)
        tpu.yield
      }) : () -> ()
    }
    %scan3A_5 = arith.constant 8 : i32
    return
  }
}

</mosaic_0001>

<sc_bundles>
// kernel: kernel.3.cloned.1.call-start
scs
__scs_entry_jumppad:
0x0: {  	(pc) =	sbr.rel $0x88, $3  }
0x1: {  	(tag) =	ssettag $0x0;
	lr =	simm.s32 $0x1  }
0x2: {  	[smem:$0x3F9F] =	sst lr;
	_ =	strace $0xD0000000  }
0x3: {  	_ = 	snop  }
0x4: {  	_ = 	snop  }
0x5: {  	_ = 	snop  }
0x6: {  	_ = 	snop  }
0x7: {  	_ = 	snop  }
__scs_overlays_trampoline_lowered:
0x8: {  	[smem:$0x3FAE] =	sst s0  }
0x9: {  	[smem:$0x3FAF] =	sst s1  }
0xa: {  	[smem:$0x3FB0] =	sst s2  }
0xb: {  	[smem:$0x3FB1] =	sst s3  }
0xc: {  	[smem:$0x3FB2] =	sst s4  }
0xd: {  	[smem:$0x3FB3] =	sst s5  }
0xe: {  	[smem:$0x3FB4] =	sst s6  }
0xf: {  	[smem:$0x3FB5] =	sst s7  }
0x10: {  	[smem:$0x3FB6] =	sst s8  }
0x11: {  	[smem:$0x3FB7] =	sst s9;
	s0 =	simm.s32 @!p0 $0x0  }
0x12: {  	s1 =	sld [smem:$0x3F9D];
	s0 =	simm.s32 @p0 $0x1  }
0x13: {  	[smem:$0x3FB8] =	sst s0;
	s0 =	simm.s32 @!p1 $0x0  }
0x14: {  	s2 =	sld [smem:$0x3F9C];
	s0 =	simm.s32 @p1 $0x1  }
0x15: {  	[smem:$0x3FB9] =	sst s0;
	s0 =	simm.s32 @!p2 $0x0  }
0x16: {  	s3 =	sld [smem:$0x3FDB];
	s0 =	simm.s32 @p2 $0x1  }
0x17: {  	s4 =	simm.s32 $0x1BF5;
	[smem:$0x3FBB] =	sst s0  }
0x18: {  	s0 =	sld [smem:$0x3F9E];
	_ =	swait.ge [sflag:s4], $0x0  }
0x19: {  	s7 =	sld [smem:$0x3F9F]  }
0x1a: {  	s8 =	sadd.s32 $0xFFFFE003, lr  }
0x1b: {  	s9 =	sadd.s32 $0xFFFFFEF7, lr;
	s5 =	simm.s32 $0xFFFFFFFF;
	p2 =	slt.u32 s8, $0xFFFFF086  }
0x1c: {  	p1 =	slt.u32 s9, $0xF7A;
	s5 =	simm.s32 @!p2 $0x0  }
0x1d: {  	s5 =	simm.s32 @p1 $0x1;
	p0 =	seq.s32 s7, s2  }
0x1e: {  	s7 =	smul.u32 @!p0 $0xF7A, s2;
	p2 =	seq.s32 @!p0 s5, $0x0  }
0x1f: {  	s9 =	smul.u32 $0xF7A, s1;
	s8 =	simm.s32 @!p0 $0x1BF5;
	p2 =	por !p2, p0  }
0x20: {  	[sflag:s8] =	ssyncset.s32 @!p0 $0xFFFFF086;
	s6 =	sadd.s32 @!p0 s3, s7;
	s7 =	simm.s32 @!p0 $0x108  }
0x21: {  	s3 =	sadd.s32 s3, s9;
	s6 =	sadd.s32 @!p0 $0x88, s6;
	s7 =	simm.s32 @p2 $0x1082  }
0x22: {  	[simem:s7], [sflag:s8] =	dma.local @!p0 [hbm:s6], $0xF7A  }
0x23: {  	s9 =	sor.u32 $0xD0000000, s2;
	s6 =	simm.s32 $0x108;
	_ =	swait.ge @!p0 [sflag:s8], $0x0  }
0x24: {  	s3 =	sadd.s32 $0x88, s3;
	s6 =	simm.s32 @!p1 $0x1082;
	[sflag:s4] =	ssyncset.s32 $0xFFFFF086  }
0x25: {  	[simem:s6], [sflag:s4] =	dma.local [hbm:s3], $0xF7A  }
0x26: {  	[smem:$0x3F9F] =	sst s1;
	(tag) =	ssettag s2;
	_ =	strace s9  }
0x27: {  	s1 =	sld [smem:$0x3FAF]  }
0x28: {  	s2 =	sld [smem:$0x3FB0]  }
0x29: {  	s4 =	sld [smem:$0x3FB2]  }
0x2a: {  	p0 =	seq.s32 s5, $0x0;
	s5 =	sld [smem:$0x3FB3]  }
0x2b: {  	s6 =	sld [smem:$0x3FB4]  }
0x2c: {  	s7 =	sld [smem:$0x3FB5]  }
0x2d: {  	s3 =	simm.s32 $0x108;
	s8 =	sld [smem:$0x3FB6]  }
0x2e: {  	s3 =	simm.s32 @!p0 $0x1082;
	s9 =	sld [smem:$0x3FB7]  }
0x2f: {  	lr =	sadd.s32 s0, s3;
	s0 =	sld [smem:$0x3FAE]  }
0x30: {  	s3 =	sld [smem:$0x3FB1]  }
0x31: {  	[smem:$0x3FBA] =	sst s10  }
0x32: {  	s10 =	sld [smem:$0x3FB8];
	_ =	sdelay $0x3  }
0x33: {  	p0 =	seq.s32 s10, $0x1;
	s10 =	sld [smem:$0x3FBA];
	_ =	sdelay $0x3  }
0x34: {  	[smem:$0x3FBA] =	sst s10  }
0x35: {  	s10 =	sld [smem:$0x3FB9];
	_ =	sdelay $0x3  }
0x36: {  	p1 =	seq.s32 s10, $0x1;
	s10 =	sld [smem:$0x3FBA];
	_ =	sdelay $0x3  }
0x37: {  	[smem:$0x3FBA] =	sst s10  }
0x38: {  	s10 =	sld [smem:$0x3FBB]  }
0x39: {  	_ = 	snop;
	(pc) =	sbr.ind lr, $3  }
0x3a: {  	_ = 	snop  }
0x3b: {  	_ = 	snop  }
0x3c: {  	p2 =	seq.s32 s10, $0x1;
	s10 =	sld [smem:$0x3FBA]  }
0x3d: {  	_ =	shalt  }
0x3e: {  	_ =	shalt  }
0x3f: {  	_ =	shalt  }
0x40: {  	_ =	shalt  }
0x41: {  	_ =	shalt  }
0x42: {  	_ =	shalt  }
0x43: {  	_ =	shalt  }
0x44: {  	_ =	shalt  }
0x45: {  	_ =	shalt  }
0x46: {  	_ =	shalt  }
0x47: {  	_ =	shalt  }
0x48: {  	_ =	shalt  }
0x49: {  	_ =	shalt  }
0x4a: {  	_ =	shalt  }
0x4b: {  	_ =	shalt  }
0x4c: {  	_ =	shalt  }
0x4d: {  	_ =	shalt  }
0x4e: {  	_ =	shalt  }
0x4f: {  	_ =	shalt  }
0x50: {  	_ =	shalt  }
0x51: {  	_ =	shalt  }
0x52: {  	_ =	shalt  }
0x53: {  	_ =	shalt  }
0x54: {  	_ =	shalt  }
0x55: {  	_ =	shalt  }
0x56: {  	_ =	shalt  }
0x57: {  	_ =	shalt  }
0x58: {  	_ =	shalt  }
0x59: {  	_ =	shalt  }
0x5a: {  	_ =	shalt  }
0x5b: {  	_ =	shalt  }
0x5c: {  	_ =	shalt  }
0x5d: {  	_ =	shalt  }
0x5e: {  	_ =	shalt  }
0x5f: {  	_ =	shalt  }
0x60: {  	_ =	shalt  }
0x61: {  	_ =	shalt  }
0x62: {  	_ =	shalt  }
0x63: {  	_ =	shalt  }
0x64: {  	_ =	shalt  }
0x65: {  	_ =	shalt  }
0x66: {  	_ =	shalt  }
0x67: {  	_ =	shalt  }
0x68: {  	_ =	shalt  }
0x69: {  	_ =	shalt  }
0x6a: {  	_ =	shalt  }
0x6b: {  	_ =	shalt  }
0x6c: {  	_ =	shalt  }
0x6d: {  	_ =	shalt  }
0x6e: {  	_ =	shalt  }
0x6f: {  	_ =	shalt  }
0x70: {  	_ =	shalt  }
0x71: {  	_ =	shalt  }
0x72: {  	_ =	shalt  }
0x73: {  	_ =	shalt  }
0x74: {  	_ =	shalt  }
0x75: {  	_ =	shalt  }
0x76: {  	_ =	shalt  }
0x77: {  	_ =	shalt  }
0x78: {  	_ =	shalt  }
0x79: {  	_ =	shalt  }
0x7a: {  	_ =	shalt  }
0x7b: {  	_ =	shalt  }
0x7c: {  	_ =	shalt  }
0x7d: {  	_ =	shalt  }
0x7e: {  	_ =	shalt  }
0x7f: {  	_ =	shalt  }
0x80: {  	_ =	shalt  }
0x81: {  	_ =	shalt  }
0x82: {  	_ =	shalt  }
0x83: {  	_ =	shalt  }
0x84: {  	_ =	shalt  }
0x85: {  	_ =	shalt  }
0x86: {  	_ =	shalt  }
0x87: {  	_ =	shalt  }
.Lfunc_end0:
.L_simem_size_0:
called_computation_lowered:
.L_overlay_start_0:
0x88: {  	s2 =	sld [smem:$0x3FD9]  }
0x89: {  	s3 =	sld [smem:$0x3FFE];
	_ =	sdelay $0x1  }
0x8a: {  	s1 =	srdreg.scid  }
0x8b: {  	s0 =	sand.u32 $0x1, s1  }
0x8c: {  	s17 =	sshll.u32 s0, $0xA;
	s2 =	sadd.s32 s3, s2  }
0x8d: {  	s2 =	sadd.s32 s2, s17  }
0x8e: {  	[smem:$0x3FC6] =	sst s2  }
0x8f: {  	_ = 	snop  }
0x90: {  	s2 =	sld [smem:$0x3FD0];
	(tm) =	ssettm $0x1  }
0x91: {  	s18 =	sld [smem:$0x3FFB];
	_ =	sdelay $0x3  }
0x92: {  	_ =	strace s18  }
0x93: {  	s3 =	sld [smem:$0x3FFC];
	_ =	sdelay $0x3  }
0x94: {  	_ =	strace s3  }
0x95: {  	s3 =	sld [smem:$0x3FFD];
	_ =	sdelay $0x3  }
0x96: {  	_ =	strace s3  }
0x97: {  	_ =	strace $0x8FFFFFFF  }
0x98: {  	s19 =	sld [smem:$0x3FDB];
	_ =	sdelay $0x1  }
0x99: {  	s4 =	simm.s32 $_scs_section_size  }
0x9a: {  	s5 =	simm.s32 $_size__tile_overlayer_lowered;
	s6 =	simm.s32 $_tile_overlayer_lowered  }
0x9b: {  	s22 =	simm.s32 $0x1BFF;
	s21 =	sshll.u32 s6, $0x1;
	s3 =	sadd.s32 s4, s19  }
0x9c: {  	s7 =	simm.s32 $0x0;
	s20 =	sshll.u32 s5, $0x1;
	s5 =	sadd.s32 s21, s3  }
0x9d: {  	[timem:s7], [sflag:s22] =	dma.local [hbm:s5], s20  }
0x9e: {  	_ =	swait.ge [sflag:s22], s20  }
0x9f: {  	s4 =	ssub.s32 $0x0, s20;
	[sflag:s22] =	ssyncset.done $0x0  }
0xa0: {  	[sflag:s22] =	ssyncadd.s32 s4;
	_ =	sdelay $0x1  }
0xa1: {  	s23 =	simm.s32 $0x1B8B  }
0xa2: {  	_ =	swait.ge [sflag:s23], $0x1  }
0xa3: {  	[sflag:s23] =	ssyncset.done $0x0  }
0xa4: {  	s25 =	simm.s32 $0x1B8E;
	s24 =	sld [smem:$0x3FFE];
	[sflag:s23] =	ssyncadd.s32 $0xFFFFFFFF  }
0xa5: {  	s26 =	simm.s32 $execute0_lowered;
	[smem:$0x3FD2] =	sst s25  }
0xa6: {  	s5 =	sshll.u32 s26, $0x1;
	_ =	strace $0x80000046;
	[dreg:$0x1] =	wrdreg $0xFFFFFFFF  }
0xa7: {  	s28 =	simm.s32 $_size_execute0_lowered;
	s3 =	sadd.s32 s3, s5;
	[dreg:$0x0] =	wrdreg $0x0  }
0xa8: {  	s5 =	sshll.u32 s28, $0x1;
	[dreg:$0x2] =	wrdreg s3  }
0xa9: {  	[dreg:$0x3] =	wrdreg s5  }
0xaa: {  	[dreg:$0x4] =	wrdreg $0xC0  }
0xab: {  	_ =	task [dreg:s7], $0x5FFFF  }
0xac: {  	[dreg:$0x1] =	wrdreg $0xFFFFFFFF  }
0xad: {  	[dreg:$0x0] =	wrdreg $0x60  }
0xae: {  	[dreg:$0x2] =	wrdreg s24  }
0xaf: {  	[dreg:$0x3] =	wrdreg s2  }
0xb0: {  	[dreg:$0x4] =	wrdreg $0x9  }
0xb1: {  	_ =	task.clear_ibuf [dreg:s7], $0x5FFFF;
	_ =	strace $0x90000046  }
0xb2: {  	s29 =	simm.s32 $0x9;
	_ =	strace $0x80000048  }
0xb3: {  	_ =	swait.ge [sflag:s29], $0x1  }
0xb4: {  	[sflag:s29] =	ssyncadd.s32 $0xFFFFFFFF  }
0xb5: {  	_ =	strace $0x90000048  }
0xb6: {  	_ =	sfence  }
0xb7: {  	s30 =	sld [smem:$0x0];
	_ =	sdelay $0x2  }
0xb8: {  	s31 =	sshll.u32 s1, $0xD;
	s1 =	sshrl.u32 s1, $0x2  }
0xb9: {  	s3 =	sand.u32 $0x4000, s31;
	s1 =	sadd.s32 s1, s30  }
0xba: {  	s0 =	sor.u32 s3, s0;
	s1 =	sshll.u32 s1, $0x11  }
0xbb: {  	s0 =	sor.u32 s1, s0  }
0xbc: {  	s0 =	sadd.s32 $0x8F2B, s0  }
0xbd: {  	[sflag:s0] =	ssyncadd.remote.s32 $0x1  }
0xbe: {  	_ =	sfence.sel $0xFFFF  }
0xbf: {  	[dreg:$0x0] =	wrdreg $0xFFFFFFFF;
	(pc) =	sbr.abs _section_cstart, $3  }
0xc0: {  	[dreg:$0x1] =	wrdreg $0xFFFFFFFF  }
0xc1: {  	_ =	task.clear_ibuf [dreg:s7], $0x2FFFF;
	_ =	strace $0x9FFFFFFF  }
0xc2: {  	(tm) =	ssettm $0x7FFFFFFF  }
0xc3: {  	_ =	shalt  }
tec
execute0_lowered:
.L_overlay_start_1:
0x0: {  	(tag) =	ssettag $0x1  }
0x1: {  	s0 =	rddreg [dreg:$0x0];
	s1 =	simm.s32 $0x0;
	s4 =	srdreg.scid  }
0x2: {  	[smem:$0x7FF] =	sst s1;
	s3 =	sadd.s32 $0x600, s0;
	s2 =	sadd.s32 $0x27ACA00, s0  }
0x3: {  	s1 =	sand.u32 $0x1, s4;
	s4 =	sadd.s32 $0x280E480, s0;
	s6 =	sadd.s32 $0x286FF00, s0  }
0x4: {  	s7 =	sadd.s32 $0x28D1980, s0;
	s9 =	sadd.s32 $0x2933400, s0  }
0x5: {  	s10 =	sadd.s32 $0x2994E80, s0;
	s11 =	sadd.s32 $0x29F6900, s0  }
0x6: {  	s12 =	sadd.s32 $0x2A58380, s0;
	s13 =	sadd.s32 $0x2AB9E00, s0  }
0x7: {  	s14 =	sadd.s32 $0x2B1B880, s0;
	s15 =	sadd.s32 $0x2B7D300, s0  }
0x8: {  	s16 =	sadd.s32 $0x2BDED80, s0;
	s17 =	sadd.s32 $0x2C40800, s0  }
0x9: {  	s18 =	sadd.s32 $0x2CA2280, s0;
	s19 =	sadd.s32 $0x2D03D00, s0  }
0xa: {  	s20 =	sadd.s32 $0x2D65780, s0;
	s21 =	sadd.s32 $0x2DC7200, s0  }
0xb: {  	s22 =	sadd.s32 $0x2E28C80, s0;
	s23 =	sadd.s32 $0x2E8A700, s0  }
0xc: {  	s24 =	sadd.s32 $0x2EEC180, s0;
	s25 =	sadd.s32 $0x2F4DC00, s0  }
0xd: {  	s5 =	stileid.u32;
	s26 =	sadd.s32 $0x2FAF680, s0;
	s28 =	sadd.s32 $0x3011100, s0  }
0xe: {  	s29 =	sadd.s32 $0x3072B80, s0;
	_ =	strace $0x80000047;
	[dreg:$0x3] =	wrdreg s3  }
0xf: {  	s31 =	sadd.s32 $0x30D4600, s0;
	s0 =	sadd.s32 $0x3136080, s0;
	[dreg:$0x4] =	wrdreg s2  }
0x10: {  	s3 =	sshll.u32 s1, $0x9;
	[dreg:$0x5] =	wrdreg s4;
	s1 =	ssub.s32 $0x2, s1  }
0x11: {  	s2 =	sshll.u32 s5, $0xA;
	[dreg:$0x6] =	wrdreg s6;
	s8 =	sshrl.u32 s1, $0x1  }
0x12: {  	[dreg:$0x7] =	wrdreg s7;
	s5 =	simm.s32 $0x0;
	s1 =	ssub.s32 s1, s8  }
0x13: {  	s30 =	sor.u32 s3, s2;
	s3 =	simm.s32 $0x40;
	s1 =	smax.u32 s1, $0x1  }
0x14: {  	s2 =	simm.s32 $0x2;
	[dreg:$0x8] =	wrdreg s1;
	s1 =	simm.s32 $0x1  }
.LBB2_1:
0x15: {  	[dreg:$0x9] =	wrdreg s5;
	s4 =	simm.s32 $0x0  }
.LBB2_2:
0x16: {  	s5 =	sshll.u32 s4, $0x6  }
0x17: {  	s5 =	sadd.s32 s30, s5  }
0x18: {  	s7 =	rddreg [dreg:$0x3];
	s6 =	sshrl.u32 s5, $0x3  }
0x19: {  	s8 =	simm.s32 $0x4000;
	s6 =	sadd.s32 s7, s6;
	s7 =	simm.s32 $0x0  }
0x1a: {  	[tilespmem:s7], [sflag:$0x2] =	stream.strided.gather [hbm4b:s6+s3], $0x680, s8, s3, $0x38;
	[tilespmem:$0xDE80] =	vst v63  }
0x1b: {  	_ =	swait.ge [sflag:s2], $0x680  }
0x1c: {  	[sflag:s2] =	ssyncset.done $0x0  }
0x1d: {  	s8 =	simm.s32 $0x680;
	s6 =	rddreg [dreg:$0x4];
	[sflag:s2] =	ssyncadd.s32 $0xFFFFF980  }
0x1e: {  	[tilespmem:s8], [sflag:$0x1] =	stream.indirect.gather [hbm4b:s6+s3], $0x20, s7, s3, $0xb8;
	[tilespmem:$0xDE80] =	vst v63  }
0x1f: {  	s7 =	rddreg [dreg:$0x5];
	s8 =	simm.s32 $0xE80  }
0x20: {  	[tilespmem:s8], [sflag:$0x1] =	stream.indirect.gather [hbm4b:s7+s3], $0x20, s3, s3, $0xb8;
	[tilespmem:$0xDE80] =	vst v63  }
0x21: {  	s6 =	rddreg [dreg:$0x6];
	s7 =	simm.s32 $0x80;
	s8 =	simm.s32 $0x1680  }
0x22: {  	[tilespmem:s8], [sflag:$0x1] =	stream.indirect.gather [hbm4b:s6+s3], $0x20, s7, s3, $0xb8;
	[tilespmem:$0xDE80] =	vst v63  }
0x23: {  	s6 =	rddreg [dreg:$0x7];
	s7 =	simm.s32 $0xC0;
	s8 =	simm.s32 $0x1E80  }
0x24: {  	[tilespmem:s8], [sflag:$0x1] =	stream.indirect.gather [hbm4b:s6+s3], $0x20, s7, s3, $0xb8;
	[tilespmem:$0xDE80] =	vst v63  }
0x25: {  	s7 =	simm.s32 $0x100;
	s8 =	simm.s32 $0x2680  }
0x26: {  	[tilespmem:s8], [sflag:$0x1] =	stream.indirect.gather [hbm4b:s9+s3], $0x20, s7, s3, $0xb8;
	[tilespmem:$0xDE80] =	vst v63  }
0x27: {  	s7 =	simm.s32 $0x140;
	s8 =	simm.s32 $0x2E80  }
0x28: {  	[tilespmem:s8], [sflag:$0x1] =	stream.indirect.gather [hbm4b:s10+s3], $0x20, s7, s3, $0xb8;
	[tilespmem:$0xDE80] =	vst v63  }
0x29: {  	s7 =	simm.s32 $0x180;
	s8 =	simm.s32 $0x3680  }
0x2a: {  	[tilespmem:s8], [sflag:$0x1] =	stream.indirect.gather [hbm4b:s11+s3], $0x20, s7, s3, $0xb8;
	[tilespmem:$0xDE80] =	vst v63  }
0x2b: {  	s7 =	simm.s32 $0x1C0;
	s8 =	simm.s32 $0x3E80  }
0x2c: {  	[tilespmem:s8], [sflag:$0x1] =	stream.indirect.gather [hbm4b:s12+s3], $0x20, s7, s3, $0xb8;
	[tilespmem:$0xDE80] =	vst v63  }
0x2d: {  	s7 =	simm.s32 $0x200;
	s8 =	simm.s32 $0x4680  }
0x2e: {  	[tilespmem:s8], [sflag:$0x1] =	stream.indirect.gather [hbm4b:s13+s3], $0x20, s7, s3, $0xb8;
	[tilespmem:$0xDE80] =	vst v63  }
0x2f: {  	s7 =	simm.s32 $0x240;
	s8 =	simm.s32 $0x4E80  }
0x30: {  	[tilespmem:s8], [sflag:$0x1] =	stream.indirect.gather [hbm4b:s14+s3], $0x20, s7, s3, $0xb8;
	[tilespmem:$0xDE80] =	vst v63  }
0x31: {  	s7 =	simm.s32 $0x280;
	s8 =	simm.s32 $0x5680  }
0x32: {  	[tilespmem:s8], [sflag:$0x1] =	stream.indirect.gather [hbm4b:s15+s3], $0x20, s7, s3, $0xb8;
	[tilespmem:$0xDE80] =	vst v63  }
0x33: {  	s7 =	simm.s32 $0x2C0;
	s8 =	simm.s32 $0x5E80  }
0x34: {  	[tilespmem:s8], [sflag:$0x1] =	stream.indirect.gather [hbm4b:s16+s3], $0x20, s7, s3, $0xb8;
	[tilespmem:$0xDE80] =	vst v63  }
0x35: {  	s7 =	simm.s32 $0x300;
	s8 =	simm.s32 $0x6680  }
0x36: {  	[tilespmem:s8], [sflag:$0x1] =	stream.indirect.gather [hbm4b:s17+s3], $0x20, s7, s3, $0xb8;
	[tilespmem:$0xDE80] =	vst v63  }
0x37: {  	s7 =	simm.s32 $0x340;
	s8 =	simm.s32 $0x6E80  }
0x38: {  	[tilespmem:s8], [sflag:$0x1] =	stream.indirect.gather [hbm4b:s18+s3], $0x20, s7, s3, $0xb8;
	[tilespmem:$0xDE80] =	vst v63  }
0x39: {  	s7 =	simm.s32 $0x380;
	s8 =	simm.s32 $0x7680  }
0x3a: {  	[tilespmem:s8], [sflag:$0x1] =	stream.indirect.gather [hbm4b:s19+s3], $0x20, s7, s3, $0xb8;
	[tilespmem:$0xDE80] =	vst v63  }
0x3b: {  	s7 =	simm.s32 $0x3C0;
	s8 =	simm.s32 $0x7E80  }
0x3c: {  	[tilespmem:s8], [sflag:$0x1] =	stream.indirect.gather [hbm4b:s20+s3], $0x20, s7, s3, $0xb8;
	[tilespmem:$0xDE80] =	vst v63  }
0x3d: {  	s7 =	simm.s32 $0x400;
	s8 =	simm.s32 $0x8680  }
0x3e: {  	[tilespmem:s8], [sflag:$0x1] =	stream.indirect.gather [hbm4b:s21+s3], $0x20, s7, s3, $0xb8;
	[tilespmem:$0xDE80] =	vst v63  }
0x3f: {  	s7 =	simm.s32 $0x440;
	s8 =	simm.s32 $0x8E80  }
0x40: {  	[tilespmem:s8], [sflag:$0x1] =	stream.indirect.gather [hbm4b:s22+s3], $0x20, s7, s3, $0xb8;
	[tilespmem:$0xDE80] =	vst v63  }
0x41: {  	s7 =	simm.s32 $0x480;
	s8 =	simm.s32 $0x9680  }
0x42: {  	[tilespmem:s8], [sflag:$0x1] =	stream.indirect.gather [hbm4b:s23+s3], $0x20, s7, s3, $0xb8;
	[tilespmem:$0xDE80] =	vst v63  }
0x43: {  	s7 =	simm.s32 $0x4C0;
	s8 =	simm.s32 $0x9E80  }
0x44: {  	[tilespmem:s8], [sflag:$0x1] =	stream.indirect.gather [hbm4b:s24+s3], $0x20, s7, s3, $0xb8;
	[tilespmem:$0xDE80] =	vst v63  }
0x45: {  	s7 =	simm.s32 $0x500;
	s8 =	simm.s32 $0xA680  }
0x46: {  	[tilespmem:s8], [sflag:$0x1] =	stream.indirect.gather [hbm4b:s25+s3], $0x20, s7, s3, $0xb8;
	[tilespmem:$0xDE80] =	vst v63  }
0x47: {  	s7 =	simm.s32 $0x540;
	s8 =	simm.s32 $0xAE80  }
0x48: {  	[tilespmem:s8], [sflag:$0x1] =	stream.indirect.gather [hbm4b:s26+s3], $0x20, s7, s3, $0xb8;
	[tilespmem:$0xDE80] =	vst v63  }
0x49: {  	s7 =	simm.s32 $0x580;
	s8 =	simm.s32 $0xB680  }
0x4a: {  	[tilespmem:s8], [sflag:$0x1] =	stream.indirect.gather [hbm4b:s28+s3], $0x20, s7, s3, $0xb8;
	[tilespmem:$0xDE80] =	vst v63  }
0x4b: {  	s7 =	simm.s32 $0x5C0;
	s8 =	simm.s32 $0xBE80  }
0x4c: {  	[tilespmem:s8], [sflag:$0x1] =	stream.indirect.gather [hbm4b:s29+s3], $0x20, s7, s3, $0xb8;
	[tilespmem:$0xDE80] =	vst v63  }
0x4d: {  	s7 =	simm.s32 $0x600;
	s8 =	simm.s32 $0xC680  }
0x4e: {  	[tilespmem:s8], [sflag:$0x1] =	stream.indirect.gather [hbm4b:s31+s3], $0x20, s7, s3, $0xb8;
	[tilespmem:$0xDE80] =	vst v63  }
0x4f: {  	s7 =	simm.s32 $0x640;
	s8 =	simm.s32 $0xCE80  }
0x50: {  	[tilespmem:s8], [sflag:$0x1] =	stream.indirect.gather [hbm4b:s0+s3], $0x20, s7, s3, $0xb8;
	[tilespmem:$0xDE80] =	vst v63  }
0x51: {  	_ =	swait.ge [sflag:s1], $0x800  }
0x52: {  	[sflag:s1] =	ssyncset.done $0x0  }
0x53: {  	[sflag:s1] =	ssyncadd.s32 $0xFFFFF800  }
0x54: {  	_ =	swait.ge [sflag:s1], $0x800  }
0x55: {  	[sflag:s1] =	ssyncset.done $0x0  }
0x56: {  	[sflag:s1] =	ssyncadd.s32 $0xFFFFF800  }
0x57: {  	_ =	swait.ge [sflag:s1], $0x800  }
0x58: {  	[sflag:s1] =	ssyncset.done $0x0  }
0x59: {  	[sflag:s1] =	ssyncadd.s32 $0xFFFFF800  }
0x5a: {  	_ =	swait.ge [sflag:s1], $0x800  }
0x5b: {  	[sflag:s1] =	ssyncset.done $0x0  }
0x5c: {  	[sflag:s1] =	ssyncadd.s32 $0xFFFFF800  }
0x5d: {  	_ =	swait.ge [sflag:s1], $0x800  }
0x5e: {  	[sflag:s1] =	ssyncset.done $0x0  }
0x5f: {  	[sflag:s1] =	ssyncadd.s32 $0xFFFFF800  }
0x60: {  	_ =	swait.ge [sflag:s1], $0x800  }
0x61: {  	[sflag:s1] =	ssyncset.done $0x0  }
0x62: {  	[sflag:s1] =	ssyncadd.s32 $0xFFFFF800  }
0x63: {  	_ =	swait.ge [sflag:s1], $0x800  }
0x64: {  	[sflag:s1] =	ssyncset.done $0x0  }
0x65: {  	[sflag:s1] =	ssyncadd.s32 $0xFFFFF800  }
0x66: {  	_ =	swait.ge [sflag:s1], $0x800  }
0x67: {  	[sflag:s1] =	ssyncset.done $0x0  }
0x68: {  	[sflag:s1] =	ssyncadd.s32 $0xFFFFF800  }
0x69: {  	_ =	swait.ge [sflag:s1], $0x800  }
0x6a: {  	[sflag:s1] =	ssyncset.done $0x0  }
0x6b: {  	[sflag:s1] =	ssyncadd.s32 $0xFFFFF800  }
0x6c: {  	_ =	swait.ge [sflag:s1], $0x800  }
0x6d: {  	[sflag:s1] =	ssyncset.done $0x0  }
0x6e: {  	[sflag:s1] =	ssyncadd.s32 $0xFFFFF800  }
0x6f: {  	_ =	swait.ge [sflag:s1], $0x800  }
0x70: {  	[sflag:s1] =	ssyncset.done $0x0  }
0x71: {  	[sflag:s1] =	ssyncadd.s32 $0xFFFFF800  }
0x72: {  	_ =	swait.ge [sflag:s1], $0x800  }
0x73: {  	[sflag:s1] =	ssyncset.done $0x0  }
0x74: {  	[sflag:s1] =	ssyncadd.s32 $0xFFFFF800  }
0x75: {  	_ =	swait.ge [sflag:s1], $0x800  }
0x76: {  	[sflag:s1] =	ssyncset.done $0x0  }
0x77: {  	[sflag:s1] =	ssyncadd.s32 $0xFFFFF800  }
0x78: {  	_ =	swait.ge [sflag:s1], $0x800  }
0x79: {  	[sflag:s1] =	ssyncset.done $0x0  }
0x7a: {  	[sflag:s1] =	ssyncadd.s32 $0xFFFFF800  }
0x7b: {  	_ =	swait.ge [sflag:s1], $0x800  }
0x7c: {  	[sflag:s1] =	ssyncset.done $0x0  }
0x7d: {  	[sflag:s1] =	ssyncadd.s32 $0xFFFFF800  }
0x7e: {  	_ =	swait.ge [sflag:s1], $0x800  }
0x7f: {  	[sflag:s1] =	ssyncset.done $0x0  }
0x80: {  	[sflag:s1] =	ssyncadd.s32 $0xFFFFF800  }
0x81: {  	_ =	swait.ge [sflag:s1], $0x800  }
0x82: {  	[sflag:s1] =	ssyncset.done $0x0  }
0x83: {  	[sflag:s1] =	ssyncadd.s32 $0xFFFFF800  }
0x84: {  	_ =	swait.ge [sflag:s1], $0x800  }
0x85: {  	[sflag:s1] =	ssyncset.done $0x0  }
0x86: {  	[sflag:s1] =	ssyncadd.s32 $0xFFFFF800  }
0x87: {  	_ =	swait.ge [sflag:s1], $0x800  }
0x88: {  	[sflag:s1] =	ssyncset.done $0x0  }
0x89: {  	[sflag:s1] =	ssyncadd.s32 $0xFFFFF800  }
0x8a: {  	_ =	swait.ge [sflag:s1], $0x800  }
0x8b: {  	[sflag:s1] =	ssyncset.done $0x0  }
0x8c: {  	[sflag:s1] =	ssyncadd.s32 $0xFFFFF800  }
0x8d: {  	_ =	swait.ge [sflag:s1], $0x800  }
0x8e: {  	[sflag:s1] =	ssyncset.done $0x0  }
0x8f: {  	[sflag:s1] =	ssyncadd.s32 $0xFFFFF800  }
0x90: {  	_ =	swait.ge [sflag:s1], $0x800  }
0x91: {  	[sflag:s1] =	ssyncset.done $0x0  }
0x92: {  	[sflag:s1] =	ssyncadd.s32 $0xFFFFF800  }
0x93: {  	_ =	swait.ge [sflag:s1], $0x800  }
0x94: {  	[sflag:s1] =	ssyncset.done $0x0  }
0x95: {  	[sflag:s1] =	ssyncadd.s32 $0xFFFFF800  }
0x96: {  	_ =	swait.ge [sflag:s1], $0x800  }
0x97: {  	[sflag:s1] =	ssyncset.done $0x0  }
0x98: {  	[sflag:s1] =	ssyncadd.s32 $0xFFFFF800  }
0x99: {  	_ =	swait.ge [sflag:s1], $0x800  }
0x9a: {  	[sflag:s1] =	ssyncset.done $0x0  }
0x9b: {  	[sflag:s1] =	ssyncadd.s32 $0xFFFFF800  }
0x9c: {  	_ =	swait.ge [sflag:s1], $0x800  }
0x9d: {  	[sflag:s1] =	ssyncset.done $0x0  }
0x9e: {  	s6 =	simm.s32 $0x0;
	[sflag:s1] =	ssyncadd.s32 $0xFFFFF800  }
0x9f: {  	v0 =	vld [tilespmem:s6+$0x690]  }
0xa0: {  	v1 =	vld [tilespmem:s6+$0xE90]  }
0xa1: {  	v2 =	vld [tilespmem:s6+$0x680]  }
0xa2: {  	v3 =	vld [tilespmem:s6+$0x1690]  }
0xa3: {  	v4 =	vld [tilespmem:s6+$0xE80]  }
0xa4: {  	v5 =	vld [tilespmem:s6+$0x1E90]  }
0xa5: {  	v0 =	vadd.f32 v1, v0;
	v1 =	vld [tilespmem:s6+$0x1680]  }
0xa6: {  	v6 =	vld [tilespmem:s6+$0x2690]  }
0xa7: {  	v0 =	vadd.f32 v3, v0;
	v3 =	vld [tilespmem:s6+$0x1E80]  }
0xa8: {  	v7 =	vld [tilespmem:s6+$0x2E90];
	v2 =	vadd.f32 v4, v2  }
0xa9: {  	v4 =	vld [tilespmem:s6+$0x2680];
	v0 =	vadd.f32 v5, v0  }
0xaa: {  	v5 =	vld [tilespmem:s6+$0x3690];
	v1 =	vadd.f32 v1, v2  }
0xab: {  	v2 =	vld [tilespmem:s6+$0x2E80];
	v0 =	vadd.f32 v6, v0  }
0xac: {  	v6 =	vld [tilespmem:s6+$0x3E90];
	v1 =	vadd.f32 v3, v1  }
0xad: {  	v3 =	vld [tilespmem:s6+$0x3680];
	v0 =	vadd.f32 v7, v0  }
0xae: {  	v7 =	vld [tilespmem:s6+$0x4690];
	v1 =	vadd.f32 v4, v1  }
0xaf: {  	v4 =	vld [tilespmem:s6+$0x3E80];
	v0 =	vadd.f32 v5, v0  }
0xb0: {  	v5 =	vld [tilespmem:s6+$0x4E90];
	v1 =	vadd.f32 v2, v1  }
0xb1: {  	v2 =	vld [tilespmem:s6+$0x4680];
	v0 =	vadd.f32 v6, v0  }
0xb2: {  	v6 =	vld [tilespmem:s6+$0x5690];
	v1 =	vadd.f32 v3, v1  }
0xb3: {  	v3 =	vld [tilespmem:s6+$0x4E80];
	v0 =	vadd.f32 v7, v0  }
0xb4: {  	v7 =	vld [tilespmem:s6+$0x5E90];
	v1 =	vadd.f32 v4, v1  }
0xb5: {  	v4 =	vld [tilespmem:s6+$0x5680];
	v0 =	vadd.f32 v5, v0  }
0xb6: {  	v5 =	vld [tilespmem:s6+$0x6690];
	v1 =	vadd.f32 v2, v1  }
0xb7: {  	v2 =	vld [tilespmem:s6+$0x5E80];
	v0 =	vadd.f32 v6, v0  }
0xb8: {  	v6 =	vld [tilespmem:s6+$0x6E90];
	v1 =	vadd.f32 v3, v1  }
0xb9: {  	v3 =	vld [tilespmem:s6+$0x6680];
	v0 =	vadd.f32 v7, v0  }
0xba: {  	v7 =	vld [tilespmem:s6+$0x7690];
	v1 =	vadd.f32 v4, v1  }
0xbb: {  	v4 =	vld [tilespmem:s6+$0x6E80];
	v0 =	vadd.f32 v5, v0  }
0xbc: {  	v5 =	vld [tilespmem:s6+$0x7E90];
	v1 =	vadd.f32 v2, v1  }
0xbd: {  	v2 =	vld [tilespmem:s6+$0x7680];
	v0 =	vadd.f32 v6, v0  }
0xbe: {  	v6 =	vld [tilespmem:s6+$0x8690];
	v1 =	vadd.f32 v3, v1  }
0xbf: {  	v3 =	vld [tilespmem:s6+$0x7E80];
	v0 =	vadd.f32 v7, v0  }
0xc0: {  	v7 =	vld [tilespmem:s6+$0x8E90];
	v1 =	vadd.f32 v4, v1  }
0xc1: {  	v4 =	vld [tilespmem:s6+$0x8680];
	v0 =	vadd.f32 v5, v0  }
0xc2: {  	v5 =	vld [tilespmem:s6+$0x9690];
	v1 =	vadd.f32 v2, v1  }
0xc3: {  	v2 =	vld [tilespmem:s6+$0x8E80];
	v0 =	vadd.f32 v6, v0  }
0xc4: {  	v6 =	vld [tilespmem:s6+$0x9E90];
	v1 =	vadd.f32 v3, v1  }
0xc5: {  	v3 =	vld [tilespmem:s6+$0x9680];
	v0 =	vadd.f32 v7, v0  }
0xc6: {  	v7 =	vld [tilespmem:s6+$0xA690];
	v1 =	vadd.f32 v4, v1  }
0xc7: {  	v4 =	vld [tilespmem:s6+$0x9E80];
	v0 =	vadd.f32 v5, v0  }
0xc8: {  	v5 =	vld [tilespmem:s6+$0xAE90];
	v1 =	vadd.f32 v2, v1  }
0xc9: {  	v2 =	vld [tilespmem:s6+$0xA680];
	v0 =	vadd.f32 v6, v0  }
0xca: {  	v6 =	vld [tilespmem:s6+$0xB690];
	v1 =	vadd.f32 v3, v1  }
0xcb: {  	v0 =	vadd.f32 v7, v0;
	v7 =	vld [tilespmem:s6+$0xAE80]  }
0xcc: {  	v8 =	vld [tilespmem:s6+$0xBE90];
	v1 =	vadd.f32 v4, v1  }
0xcd: {  	v0 =	vadd.f32 v5, v0;
	v5 =	vld [tilespmem:s6+$0xB680]  }
0xce: {  	v9 =	vld [tilespmem:s6+$0xC690];
	v1 =	vadd.f32 v2, v1  }
0xcf: {  	v2 =	vld [tilespmem:s6+$0xBE80];
	v0 =	vadd.f32 v6, v0  }
0xd0: {  	v3 =	vld [tilespmem:s6+$0xCE90];
	v6 =	vadd.f32 v7, v1  }
0xd1: {  	v4 =	vld [tilespmem:s6+$0xC680];
	v7 =	vadd.f32 v8, v0  }
0xd2: {  	s8 =	simm.s32 $0x20;
	v1 =	vld [tilespmem:s6+$0xCE80];
	v5 =	vadd.f32 v5, v6  }
0xd3: {  	s7 =	simm.s32 $0x100;
	v0 =	vld [tilespmem:s8+$0x690];
	v6 =	vadd.f32 v9, v7  }
.LBB2_3:
0xd4: {  	p0 =	sne.s32 s7, $0x1F80;
	v7 =	vld [tilespmem:s8+$0xE90];
	v2 =	vadd.f32 v2, v5  }
0xd5: {  	v5 =	vld [tilespmem:s8+$0x680];
	v3 =	vadd.f32 v3, v6  }
0xd6: {  	v6 =	vld [tilespmem:s8+$0x1690];
	v2 =	vadd.f32 v4, v2  }
0xd7: {  	v4 =	vld [tilespmem:s8+$0xE80];
	[tilespmem:s6+$0xD690] =	vst v3  }
0xd8: {  	v3 =	vld [tilespmem:s8+$0x1E90];
	v1 =	vadd.f32 v1, v2  }
0xd9: {  	v0 =	vadd.f32 v7, v0;
	v2 =	vld [tilespmem:s8+$0x1680]  }
0xda: {  	v7 =	vld [tilespmem:s8+$0x2690];
	[tilespmem:s6+$0xD680] =	vst v1;
	s6 =	smov.u32 s8  }
0xdb: {  	v0 =	vadd.f32 v6, v0;
	v1 =	vld [tilespmem:s6+$0x1E80]  }
0xdc: {  	v4 =	vadd.f32 v4, v5;
	v5 =	vld [tilespmem:s6+$0x2E90]  }
0xdd: {  	v0 =	vadd.f32 v3, v0;
	v3 =	vld [tilespmem:s6+$0x2680]  }
0xde: {  	v2 =	vadd.f32 v2, v4;
	v4 =	vld [tilespmem:s6+$0x3690]  }
0xdf: {  	v0 =	vadd.f32 v7, v0;
	v6 =	vld [tilespmem:s6+$0x2E80]  }
0xe0: {  	v1 =	vadd.f32 v1, v2;
	v2 =	vld [tilespmem:s6+$0x3E90]  }
0xe1: {  	v0 =	vadd.f32 v5, v0;
	v5 =	vld [tilespmem:s6+$0x3680]  }
0xe2: {  	v1 =	vadd.f32 v3, v1;
	v3 =	vld [tilespmem:s6+$0x4690]  }
0xe3: {  	v0 =	vadd.f32 v4, v0;
	v4 =	vld [tilespmem:s6+$0x3E80]  }
0xe4: {  	v1 =	vadd.f32 v6, v1;
	v6 =	vld [tilespmem:s6+$0x4E90]  }
0xe5: {  	v0 =	vadd.f32 v2, v0;
	v2 =	vld [tilespmem:s6+$0x4680]  }
0xe6: {  	v1 =	vadd.f32 v5, v1;
	v5 =	vld [tilespmem:s6+$0x5690]  }
0xe7: {  	v0 =	vadd.f32 v3, v0;
	v3 =	vld [tilespmem:s6+$0x4E80]  }
0xe8: {  	v1 =	vadd.f32 v4, v1;
	v4 =	vld [tilespmem:s6+$0x5E90]  }
0xe9: {  	v0 =	vadd.f32 v6, v0;
	v6 =	vld [tilespmem:s6+$0x5680]  }
0xea: {  	v1 =	vadd.f32 v2, v1;
	v2 =	vld [tilespmem:s6+$0x6690]  }
0xeb: {  	v0 =	vadd.f32 v5, v0;
	v5 =	vld [tilespmem:s6+$0x5E80]  }
0xec: {  	v1 =	vadd.f32 v3, v1;
	v3 =	vld [tilespmem:s6+$0x6E90]  }
0xed: {  	v0 =	vadd.f32 v4, v0;
	v4 =	vld [tilespmem:s6+$0x6680]  }
0xee: {  	v1 =	vadd.f32 v6, v1;
	v6 =	vld [tilespmem:s6+$0x7690]  }
0xef: {  	v0 =	vadd.f32 v2, v0;
	v2 =	vld [tilespmem:s6+$0x6E80]  }
0xf0: {  	v1 =	vadd.f32 v5, v1;
	v5 =	vld [tilespmem:s6+$0x7E90]  }
0xf1: {  	v0 =	vadd.f32 v3, v0;
	v3 =	vld [tilespmem:s6+$0x7680]  }
0xf2: {  	v1 =	vadd.f32 v4, v1;
	v4 =	vld [tilespmem:s6+$0x8690]  }
0xf3: {  	v0 =	vadd.f32 v6, v0;
	v6 =	vld [tilespmem:s6+$0x7E80]  }
0xf4: {  	v1 =	vadd.f32 v2, v1;
	v2 =	vld [tilespmem:s6+$0x8E90]  }
0xf5: {  	v0 =	vadd.f32 v5, v0;
	v5 =	vld [tilespmem:s6+$0x8680]  }
0xf6: {  	v1 =	vadd.f32 v3, v1;
	v3 =	vld [tilespmem:s6+$0x9690]  }
0xf7: {  	v0 =	vadd.f32 v4, v0;
	v4 =	vld [tilespmem:s6+$0x8E80]  }
0xf8: {  	v1 =	vadd.f32 v6, v1;
	v6 =	vld [tilespmem:s6+$0x9E90]  }
0xf9: {  	v0 =	vadd.f32 v2, v0;
	v2 =	vld [tilespmem:s6+$0x9680]  }
0xfa: {  	v1 =	vadd.f32 v5, v1;
	v5 =	vld [tilespmem:s6+$0xA690]  }
0xfb: {  	v0 =	vadd.f32 v3, v0;
	v3 =	vld [tilespmem:s6+$0x9E80]  }
0xfc: {  	v1 =	vadd.f32 v4, v1;
	v4 =	vld [tilespmem:s6+$0xAE90]  }
0xfd: {  	v0 =	vadd.f32 v6, v0;
	v6 =	vld [tilespmem:s6+$0xA680]  }
0xfe: {  	v1 =	vadd.f32 v2, v1;
	v2 =	vld [tilespmem:s6+$0xB690]  }
0xff: {  	v0 =	vadd.f32 v5, v0;
	v5 =	vld [tilespmem:s6+$0xAE80]  }
0x100: {  	v1 =	vadd.f32 v3, v1;
	v7 =	vld [tilespmem:s6+$0xBE90]  }
0x101: {  	v0 =	vadd.f32 v4, v0;
	v8 =	vld [tilespmem:s6+$0xB680]  }
0x102: {  	v1 =	vadd.f32 v6, v1;
	v6 =	vld [tilespmem:s6+$0xC690]  }
.Ltmp0:
0x103: {  	v0 =	vadd.f32 v2, v0;
	v2 =	vld [tilespmem:s6+$0xBE80];
	(pc) =	sbr.rel @p0 .LBB2_3-.Ltmp0, $4  }
0x104: {  	v1 =	vadd.f32 v5, v1;
	v3 =	vld [tilespmem:s6+$0xCE90]  }
0x105: {  	v7 =	vadd.f32 v7, v0;
	v4 =	vld [tilespmem:s6+$0xC680]  }
0x106: {  	s8 =	sshra.s32 s7, $0x2;
	v5 =	vadd.f32 v8, v1;
	v1 =	vld [tilespmem:s6+$0xCE80]  }
0x107: {  	s7 =	sadd.s32 $0x80, s7;
	v0 =	vld [tilespmem:s8+$0x690];
	v6 =	vadd.f32 v6, v7  }
0x108: {  	v7 =	vld [tilespmem:s8+$0xE90];
	v2 =	vadd.f32 v2, v5  }
0x109: {  	v8 =	vld [tilespmem:s8+$0x680];
	v3 =	vadd.f32 v3, v6  }
0x10a: {  	v17 =	vld [tilespmem:s8+$0x1690];
	v2 =	vadd.f32 v4, v2  }
0x10b: {  	v18 =	vld [tilespmem:s8+$0xE80];
	[tilespmem:s6+$0xD690] =	vst v3  }
0x10c: {  	v3 =	vld [tilespmem:s8+$0x1E90];
	v1 =	vadd.f32 v1, v2  }
0x10d: {  	v19 =	vld [tilespmem:s8+$0x1680]  }
0x10e: {  	v20 =	vld [tilespmem:s8+$0x2690];
	[tilespmem:s6+$0xD680] =	vst v1  }
0x10f: {  	v0 =	vadd.f32 v7, v0;
	v1 =	vld [tilespmem:s8+$0x1E80]  }
0x110: {  	v6 =	vadd.f32 v18, v8  }
0x111: {  	v0 =	vadd.f32 v17, v0;
	v21 =	vld [tilespmem:s8+$0x2680]  }
0x112: {  	v22 =	vld [tilespmem:s8+$0x2E90];
	v2 =	vadd.f32 v19, v6  }
0x113: {  	v23 =	vld [tilespmem:s8+$0x2E80];
	v0 =	vadd.f32 v3, v0  }
0x114: {  	v24 =	vld [tilespmem:s8+$0x3690];
	v1 =	vadd.f32 v1, v2  }
0x115: {  	v25 =	vld [tilespmem:s8+$0x3680];
	v0 =	vadd.f32 v20, v0  }
0x116: {  	v26 =	vld [tilespmem:s8+$0x3E90];
	v1 =	vadd.f32 v21, v1  }
0x117: {  	v27 =	vld [tilespmem:s8+$0x3E80];
	v0 =	vadd.f32 v22, v0  }
0x118: {  	v28 =	vld [tilespmem:s8+$0x4690];
	v1 =	vadd.f32 v23, v1  }
0x119: {  	v29 =	vld [tilespmem:s8+$0x4680];
	v0 =	vadd.f32 v24, v0  }
0x11a: {  	v30 =	vld [tilespmem:s8+$0x4E90];
	v1 =	vadd.f32 v25, v1  }
0x11b: {  	v31 =	vld [tilespmem:s8+$0x4E80];
	v0 =	vadd.f32 v26, v0  }
0x11c: {  	v32 =	vld [tilespmem:s8+$0x5690];
	v1 =	vadd.f32 v27, v1  }
0x11d: {  	v33 =	vld [tilespmem:s8+$0x5680];
	v0 =	vadd.f32 v28, v0  }
0x11e: {  	v34 =	vld [tilespmem:s8+$0x5E90];
	v1 =	vadd.f32 v29, v1  }
0x11f: {  	v35 =	vld [tilespmem:s8+$0x5E80];
	v0 =	vadd.f32 v30, v0  }
0x120: {  	v36 =	vld [tilespmem:s8+$0x6690];
	v1 =	vadd.f32 v31, v1  }
0x121: {  	v37 =	vld [tilespmem:s8+$0x6680];
	v0 =	vadd.f32 v32, v0  }
0x122: {  	v38 =	vld [tilespmem:s8+$0x6E90];
	v1 =	vadd.f32 v33, v1  }
0x123: {  	v39 =	vld [tilespmem:s8+$0x6E80];
	v0 =	vadd.f32 v34, v0  }
0x124: {  	v40 =	vld [tilespmem:s8+$0x7690];
	v1 =	vadd.f32 v35, v1  }
0x125: {  	v41 =	vld [tilespmem:s8+$0x7680];
	v0 =	vadd.f32 v36, v0  }
0x126: {  	v42 =	vld [tilespmem:s8+$0x7E90];
	v1 =	vadd.f32 v37, v1  }
0x127: {  	v43 =	vld [tilespmem:s8+$0x7E80];
	v0 =	vadd.f32 v38, v0  }
0x128: {  	v44 =	vld [tilespmem:s8+$0x8690];
	v1 =	vadd.f32 v39, v1  }
0x129: {  	v45 =	vld [tilespmem:s8+$0x8680];
	v0 =	vadd.f32 v40, v0  }
0x12a: {  	v46 =	vld [tilespmem:s8+$0x8E90];
	v1 =	vadd.f32 v41, v1  }
0x12b: {  	v47 =	vld [tilespmem:s8+$0x8E80];
	v0 =	vadd.f32 v42, v0  }
0x12c: {  	v48 =	vld [tilespmem:s8+$0x9690];
	v1 =	vadd.f32 v43, v1  }
0x12d: {  	v49 =	vld [tilespmem:s8+$0x9680];
	v0 =	vadd.f32 v44, v0  }
0x12e: {  	v50 =	vld [tilespmem:s8+$0x9E90];
	v1 =	vadd.f32 v45, v1  }
0x12f: {  	v51 =	vld [tilespmem:s8+$0x9E80];
	v0 =	vadd.f32 v46, v0  }
0x130: {  	v52 =	vld [tilespmem:s8+$0xA690];
	v1 =	vadd.f32 v47, v1  }
0x131: {  	v53 =	vld [tilespmem:s8+$0xA680];
	v0 =	vadd.f32 v48, v0  }
0x132: {  	v54 =	vld [tilespmem:s8+$0xAE90];
	v1 =	vadd.f32 v49, v1  }
0x133: {  	v55 =	vld [tilespmem:s8+$0xAE80];
	v0 =	vadd.f32 v50, v0  }
0x134: {  	v56 =	vld [tilespmem:s8+$0xB690];
	v1 =	vadd.f32 v51, v1  }
0x135: {  	v57 =	vld [tilespmem:s8+$0xB680];
	v0 =	vadd.f32 v52, v0  }
0x136: {  	v58 =	vld [tilespmem:s8+$0xBE90];
	v1 =	vadd.f32 v53, v1  }
0x137: {  	v59 =	vld [tilespmem:s8+$0xBE80];
	v0 =	vadd.f32 v54, v0  }
0x138: {  	v60 =	vld [tilespmem:s8+$0xC690];
	v1 =	vadd.f32 v55, v1  }
0x139: {  	v61 =	vld [tilespmem:s8+$0xC680];
	v0 =	vadd.f32 v56, v0  }
0x13a: {  	v62 =	vld [tilespmem:s8+$0xCE90];
	v1 =	vadd.f32 v57, v1  }
0x13b: {  	v63 =	vld [tilespmem:s8+$0xCE80];
	v0 =	vadd.f32 v58, v0  }
0x13c: {  	v1 =	vadd.f32 v59, v1  }
0x13d: {  	v0 =	vadd.f32 v60, v0  }
0x13e: {  	v1 =	vadd.f32 v61, v1  }
0x13f: {  	v0 =	vadd.f32 v62, v0  }
0x140: {  	s5 =	sshll.u32 s5, $0x2;
	s7 =	rddreg [dreg:$0x1];
	s4 =	sadd.s32 $0x1, s4;
	v1 =	vadd.f32 v63, v1  }
0x141: {  	s5 =	sadd.s32 s7, s5;
	p0 =	sne.s32 s4, $0x8;
	[tilespmem:s8+$0xD690] =	vst v0  }
.Ltmp1:
0x142: {  	s7 =	simm.s32 $0xD680;
	[tilespmem:s8+$0xD680] =	vst v1;
	s8 =	simm.s32 $0x0;
	(pc) =	sbr.rel @p0 .LBB2_2-.Ltmp1, $4  }
0x143: {  	[hbm4b:s5+s8] =	stream.linear.scatter [tilespmem:s7], [sflag:$0x2], $0x800, $0x38;
	[tilespmem:$0xDE80] =	vst v63  }
0x144: {  	_ =	swait.ge [sflag:s2], $0x800  }
0x145: {  	[sflag:s2] =	ssyncset.done $0x0  }
0x146: {  	[sflag:s2] =	ssyncadd.s32 $0xFFFFF800  }
0x147: {  	s5 =	rddreg [dreg:$0x9]  }
0x148: {  	s4 =	rddreg [dreg:$0x8];
	s5 =	sadd.s32 $0x1, s5  }
0x149: {  	p0 =	sne.s32 s5, s4  }
.Ltmp2:
0x14a: {  	_ = 	snop;
	(pc) =	sbr.rel @p0 .LBB2_1-.Ltmp2, $1  }
0x14b: {  	_ =	sdelay $0x3  }
0x14c: {  	_ =	sfence.sel $0x180000  }
0x14d: {  	[bflag:$0x0] =	sbarrier.arrive $0xFFFF  }
0x14e: {  	_ =	strace $0x90000047  }
0x14f: {  	s0 =	stileid.u32;
	[bflag:$0x2] =	sbarrier.arrive $0xFFFF  }
0x150: {  	p0 =	sne.s32 s0, $0x0;
	s0 =	rddreg [dreg:$0x2]  }
0x151: {  	s0 =	sadd.s32 @!p0 $0x100000, s0  }
0x152: {  	[sflag:s0] =	ssyncadd.tile.s32 @!p0 $0x1;
	_ =	shalt  }
.Lfunc_end2:
_tile_overlayer_lowered:
.L_overlay_start_2:
0x153: {  	(tag) =	ssettag $0x2  }
0x154: {  	s0 =	rddreg [dreg:$0x0];
	s2 =	stileid.u32  }
0x155: {  	s1 =	rddreg [dreg:$0x1];
	p0 =	sne.s32 s2, $0x0  }
0x156: {  	s3 =	rddreg [dreg:$0x2];
	[bflag:$0x3] =	sbarrier.arrive $0xFFFF;
	s2 =	simm.s32 @!p0 $0x1C02  }
0x157: {  	[timem:s3], [sflag:s2] =	dma.local @!p0 [hbm:s0], s1  }
0x158: {  	s0 =	simm.s32 @!p0 $0x2  }
0x159: {  	_ =	swait.ge @!p0 [sflag:s0], s1  }
0x15a: {  	s1 =	ssub.s32 @!p0 $0x0, s1;
	[sflag:s0] =	ssyncset.done @!p0 $0x0  }
0x15b: {  	[sflag:s0] =	ssyncadd.s32 @!p0 s1  }
0x15c: {  	[bflag:$0x3] =	sbarrier.arrive $0xFFFF  }
0x15d: {  	_ =	shalt  }

</sc_bundles>
